<compile_context>
chip_gen: v7x
topology: tpu7x:2x2x1
jax: 0.10.2.dev20260603
libtpu: 0.0.44.dev20260713+nightly
codegen_flags: <defaults>
</compile_context>

<pallas_src>
import functools

import jax
import jax.numpy as jnp
from jax import lax
from jax.experimental import pallas as pl
from jax.experimental.pallas import tpu as pltpu
from jax.experimental.pallas import tpu_sc as plsc

_C = 1.0
_NS = 16
_NC = 2


def _logmap0_scale(x):
    nrm = jnp.maximum(jnp.sqrt(jnp.sum(x * x, axis=1, keepdims=True)), 1e-15)
    cn = jnp.clip(nrm, -1.0 + 1e-7, 1.0 - 1e-7)
    artanh = 0.5 * (jnp.log1p(cn) - jnp.log1p(-cn))
    return artanh / nrm


def _pre_body(x_ref, w2_ref, b2_ref):
    x = x_ref[...]
    xt = _logmap0_scale(x) * x
    b2_ref[...] = jnp.sum(xt * w2_ref[...], axis=1, keepdims=True)


def _pre(x, w2row, bn):
    n, d = x.shape
    grid = (n // bn,)
    return pl.pallas_call(
        _pre_body,
        grid=grid,
        in_specs=[
            pl.BlockSpec((bn, d), lambda i: (i, 0)),
            pl.BlockSpec((1, d), lambda i: (0, 0)),
        ],
        out_specs=pl.BlockSpec((bn, 1), lambda i: (i, 0)),
        out_shape=jax.ShapeDtypeStruct((n, 1), jnp.float32),
    )(x, w2row)


def _sc_body(np_, e, d, chunk,
             ea, adj, b2h, z2, z1, ones_in,
             m0o, m1o, cso, cdo, t1ao, t1bo,
             m0sh, m1sh, ssh_a, ssh_b, b2sh,
             rows0, rows1, sidx0, sidx1, didx0, didx1, vals0, vals1, ones,
             sin0, sin1, ssc0, ssc1, sg):
    c = lax.axis_index("c")
    s = lax.axis_index("s")
    dh = d // _NC
    c0 = c * dh
    rows_pt = np_ // _NS
    r0 = s * rows_pt
    ep = e // _NS
    nch = ep // chunk
    e_base = s * ep
    nbuf = 2
    rows_ = (rows0, rows1)
    sidx_ = (sidx0, sidx1)
    didx_ = (didx0, didx1)
    vals_ = (vals0, vals1)
    sin_ = (sin0, sin1)
    ssc_ = (ssc0, ssc1)

    pltpu.sync_copy(z2, m0sh.at[pl.ds(r0, rows_pt)])
    pltpu.sync_copy(z2, m1sh.at[pl.ds(r0, rows_pt)])
    pltpu.sync_copy(ones_in, ones)

    @pl.when(s == 0)
    def _():
        pltpu.sync_copy(z1, ssh_a)
        pltpu.sync_copy(z1, ssh_b)
        pltpu.sync_copy(b2h, b2sh)

    plsc.subcore_barrier()

    def start_in(j, b):
        e0 = e_base + j * chunk
        pltpu.async_copy(ea.at[pl.ds(e0, chunk), pl.ds(c0, dh)], rows_[b], sin_[b])
        pltpu.async_copy(adj.at[0, pl.ds(e0, chunk)], sidx_[b], sin_[b])
        pltpu.async_copy(adj.at[1, pl.ds(e0, chunk)], didx_[b], sin_[b])

    def wait_in(j, b):
        e0 = e_base + j * chunk
        pltpu.make_async_copy(ea.at[pl.ds(e0, chunk), pl.ds(c0, dh)], rows_[b], sin_[b]).wait()
        pltpu.make_async_copy(adj.at[0, pl.ds(e0, chunk)], sidx_[b], sin_[b]).wait()
        pltpu.make_async_copy(adj.at[1, pl.ds(e0, chunk)], didx_[b], sin_[b]).wait()

    def start_scatter(b):
        pltpu.async_copy(rows_[b], m0sh.at[sidx_[b]], ssc_[b], add=True)
        pltpu.async_copy(rows_[b], m1sh.at[didx_[b]], ssc_[b], add=True)

        @pl.when(c == 0)
        def _():
            pltpu.async_copy(ones, ssh_a.at[sidx_[b]], ssc_[b], add=True)

        @pl.when(c == 1)
        def _():
            pltpu.async_copy(ones, ssh_a.at[didx_[b]], ssc_[b], add=True)

        @pl.when(c == (b % 2))
        def _():
            pltpu.async_copy(b2sh.at[didx_[b]], vals_[b], sg).wait()
            pltpu.async_copy(vals_[b], ssh_b.at[sidx_[b]], ssc_[b], add=True)

    def wait_scatter(b):
        pltpu.make_async_copy(rows_[b], m0sh.at[sidx_[b]], ssc_[b]).wait()
        pltpu.make_async_copy(rows_[b], m1sh.at[didx_[b]], ssc_[b]).wait()

        @pl.when(c == 0)
        def _():
            pltpu.make_async_copy(ones, ssh_a.at[sidx_[b]], ssc_[b]).wait()

        @pl.when(c == 1)
        def _():
            pltpu.make_async_copy(ones, ssh_a.at[didx_[b]], ssc_[b]).wait()

        @pl.when(c == (b % 2))
        def _():
            pltpu.make_async_copy(vals_[b], ssh_b.at[sidx_[b]], ssc_[b]).wait()

    start_in(0, 0)

    def _group(g, _):
        for b in range(nbuf):
            j = nbuf * g + b
            wait_in(j, b)
            start_scatter(b)

            @pl.when(j >= nbuf - 1)
            def _():
                wait_scatter((b + 1) % nbuf)

            @pl.when(j + 1 < nch)
            def _():
                start_in(j + 1, (b + 1) % nbuf)
        return ()

    lax.fori_loop(0, nch // nbuf, _group, ())

    tail = nch % nbuf
    base = nch - tail
    assert nch >= nbuf and tail in (0, 1)
    if tail == 1:
        wait_in(base, base % nbuf)
        start_scatter(base % nbuf)
        for b in range(nbuf):
            wait_scatter(b)
    else:
        for k in range(1, nbuf):
            wait_scatter((base - k) % nbuf)

    plsc.subcore_barrier()

    pltpu.sync_copy(m0sh.at[pl.ds(r0, rows_pt)],
                    m0o.at[pl.ds(r0, rows_pt), pl.ds(c0, dh)])
    pltpu.sync_copy(m1sh.at[pl.ds(r0, rows_pt)],
                    m1o.at[pl.ds(r0, rows_pt), pl.ds(c0, dh)])

    @pl.when(s == 0)
    def _():
        @pl.when(c == 0)
        def _():
            pltpu.sync_copy(ssh_a, cso)
            pltpu.sync_copy(ssh_b, t1ao)

        @pl.when(c == 1)
        def _():
            pltpu.sync_copy(ssh_a, cdo)
            pltpu.sync_copy(ssh_b, t1bo)


def _sc_call(edge_attr, adj, b2pad, np_, chunk):
    e, d = edge_attr.shape
    dh = d // _NC
    mesh = plsc.VectorSubcoreMesh(core_axis_name="c", subcore_axis_name="s")
    f32 = jnp.float32
    kern = pl.kernel(
        functools.partial(_sc_body, np_, e, d, chunk),
        out_type=[
            jax.ShapeDtypeStruct((np_, d), f32),
            jax.ShapeDtypeStruct((np_, d), f32),
            jax.ShapeDtypeStruct((np_,), f32),
            jax.ShapeDtypeStruct((np_,), f32),
            jax.ShapeDtypeStruct((np_,), f32),
            jax.ShapeDtypeStruct((np_,), f32),
        ],
        mesh=mesh,
        compiler_params=pltpu.CompilerParams(use_tc_tiling_on_sc=False),
        scratch_types=[
            pltpu.VMEM_SHARED((np_, dh), f32),
            pltpu.VMEM_SHARED((np_, dh), f32),
            pltpu.VMEM_SHARED((np_,), f32),
            pltpu.VMEM_SHARED((np_,), f32),
            pltpu.VMEM_SHARED((np_,), f32),
            *([pltpu.VMEM((chunk, dh), f32)] * 2),
            *([pltpu.VMEM((chunk,), jnp.int32)] * 2),
            *([pltpu.VMEM((chunk,), jnp.int32)] * 2),
            *([pltpu.VMEM((chunk,), f32)] * 2),
            pltpu.VMEM((chunk,), f32),
            *([pltpu.SemaphoreType.DMA] * 2),
            *([pltpu.SemaphoreType.DMA] * 2),
            pltpu.SemaphoreType.DMA,
        ],
    )
    z2 = jnp.zeros((np_ // _NS, dh), f32)
    z1 = jnp.zeros((np_,), f32)
    ones_in = jnp.ones((chunk,), f32)
    return kern(edge_attr, adj, b2pad, z2, z1, ones_in)


def _post_body(x_ref, m0_ref, m1_ref, cs_ref, cd_ref, t1a_ref, t1b_ref,
               w1_ref, w3_ref, b_ref, o_ref):
    x = x_ref[...]
    xt = _logmap0_scale(x) * x
    m0s = m0_ref[...]
    m1s = m1_ref[...]
    cs = cs_ref[...]
    cd = cd_ref[...]
    a = jnp.sum(xt * w1_ref[...], axis=1, keepdims=True)
    e3 = jnp.sum(m0s * w3_ref[...], axis=1, keepdims=True)
    s_val = cs * (a + b_ref[0, 0]) + (t1a_ref[...] + t1b_ref[...]) + e3
    m0 = m0s / jnp.maximum(cs, 1.0)
    m1 = m1s / jnp.maximum(cd, 1.0)
    sup = xt * (1.0 + s_val) + m0 + m1
    un = jnp.maximum(jnp.sqrt(jnp.sum(sup * sup, axis=1, keepdims=True)), 1e-15)
    ex = jnp.tanh(un) * sup / un
    en = jnp.maximum(jnp.sqrt(jnp.sum(ex * ex, axis=1, keepdims=True)), 1e-15)
    maxn = (1.0 - 4e-3) / (_C ** 0.5)
    o_ref[...] = jnp.where(en > maxn, ex / en * maxn, ex)


def _post(x, m0sum, m1sum, cs, cd, t1a, t1b, w1row, w3row, bias, bn):
    n, d = x.shape
    grid = (n // bn,)
    col = pl.BlockSpec((bn, 1), lambda i: (i, 0))
    mat = pl.BlockSpec((bn, d), lambda i: (i, 0))
    wsp = pl.BlockSpec((1, d), lambda i: (0, 0))
    return pl.pallas_call(
        _post_body,
        grid=grid,
        in_specs=[mat, mat, mat, col, col, col, col, wsp, wsp,
                  pl.BlockSpec((1, 1), lambda i: (0, 0))],
        out_specs=mat,
        out_shape=jax.ShapeDtypeStruct((n, d), jnp.float32),
    )(x, m0sum, m1sum, cs, cd, t1a, t1b, w1row, w3row, bias)


def kernel(x, adj, edge_attr, att_w, att_b):
    n, d = x.shape
    e, de = edge_attr.shape
    w1row = att_w[0:d, 0].reshape(1, d)
    w2row = att_w[d:2 * d, 0].reshape(1, d)
    w3row = att_w[2 * d:2 * d + de, 0].reshape(1, de)
    bias = att_b.reshape(1, 1)

    np_ = ((n + 8 * _NS - 1) // (8 * _NS)) * (8 * _NS)

    bn = 2000
    b2 = _pre(x, w2row, bn)
    b2pad = jnp.pad(b2.reshape(n), (0, np_ - n))

    chunk = 200
    m0sum, m1sum, cs, cd, t1a, t1b = _sc_call(edge_attr, adj, b2pad, np_, chunk)

    return _post(x, m0sum, m1sum, cs.reshape(np_, 1), cd.reshape(np_, 1),
                 t1a.reshape(np_, 1), t1b.reshape(np_, 1),
                 w1row, w3row, bias, bn)

# --- scband reference (transcript-rebuilt; emitter-appended) ---
"""Pipeline reference for scband-hyp-agg-16260746182751 (READ-ONLY COPY).

The authoritative reference and input builder live on the scoring server;
editing this copy changes nothing except your own understanding.
"""

import jax, jax.numpy as jnp
import numpy as np

N = 10000
E = 320000
D = 128
DE = 128
C = 1.0

def artanh(x):
    x = jnp.clip(x, -1.0 + 1e-7, 1.0 - 1e-7)
    return 0.5 * (jnp.log1p(x) - jnp.log1p(-x))

def logmap0(p, c):
    sqrt_c = c ** 0.5
    p_norm = jnp.maximum(jnp.linalg.norm(p, axis=-1, keepdims=True), 1e-15)
    scale = artanh(sqrt_c * p_norm) / (sqrt_c * p_norm)
    return scale * p

def expmap0(u, c):
    sqrt_c = c ** 0.5
    u_norm = jnp.maximum(jnp.linalg.norm(u, axis=-1, keepdims=True), 1e-15)
    return jnp.tanh(sqrt_c * u_norm) * u / (sqrt_c * u_norm)

def proj(x, c):
    norm = jnp.maximum(jnp.linalg.norm(x, axis=-1, keepdims=True), 1e-15)
    maxnorm = (1.0 - 4e-3) / (c ** 0.5)
    return jnp.where(norm > maxnorm, x / norm * maxnorm, x)

def scatter_mean(vals, idx, n):
    s = jax.ops.segment_sum(vals, idx, num_segments=n)
    cnt = jax.ops.segment_sum(jnp.ones((vals.shape[0],), dtype=vals.dtype), idx, num_segments=n)
    return s / jnp.maximum(cnt, 1.0)[:, None]

def setup_inputs(seed: int = 0):
    key = jax.random.key(seed)
    k1, k2, k3, k4 = jax.random.split(key, 4)
    # scale x so points lie inside the Poincare ball (norm < 1/sqrt(c))
    x = jax.random.normal(k1, (N, D), dtype=jnp.float32) * 0.01
    adj = jax.random.randint(k2, (2, E), 0, N, dtype=jnp.int32)
    edge_attr = jax.random.normal(k3, (E, DE), dtype=jnp.float32)
    fan_in = 2 * D + DE
    att_w = jax.random.uniform(k4, (fan_in, 1), dtype=jnp.float32, minval=-1.0, maxval=1.0) / np.sqrt(fan_in)
    att_b = jnp.zeros((1,), dtype=jnp.float32)
    return {"x": x, "adj": adj, "edge_attr": edge_attr, "att_w": att_w, "att_b": att_b}

def reference(x, adj, edge_attr, att_w, att_b):
    c = C
    n = x.shape[0]
    x_t = logmap0(x, c)  # manifold.logmap0
    src = adj[0]  # agg_direction='in' -> self.i = 0
    dst = adj[1]
    # DenseAtt(2*in_features + edge_dim, dropout, act=identity): per-edge linear attention
    feat = jnp.concatenate([x_t[src], x_t[dst], edge_attr], axis=1)
    adj_att = feat @ att_w + att_b  # [E, 1], identity activation; dropout inactive (eval)
    agg = jax.ops.segment_sum(x_t[src] * adj_att, src, num_segments=n)  # scatter_('add', ...)
    m0 = scatter_mean(edge_attr, src, n)  # scatter_('mean', edge_attr, adj[self.i])
    m1 = scatter_mean(edge_attr, dst, n)  # scatter_('mean', edge_attr, adj[1-self.i])
    support_t = x_t + agg + m0 + m1
    return proj(expmap0(support_t, c), c)

if __name__ == "__main__":
    import jax
    _d = setup_inputs()
    print(jax.jit(kernel)(*tuple(_d.values())))

</pallas_src>

<mosaic_0001>
#map = affine_map<(d0, d1) -> (0, 0)>
#map1 = affine_map<(d0, d1) -> (0)>
module attributes {stable_mosaic.version = 14 : i64} {
  func.func @_sc_body(%arg0: i32, %arg1: i32, %arg2: memref<320000x128xf32, #tpu.memory_space<hbm>>, %arg3: memref<2x320000xi32, #tpu.memory_space<hbm>>, %arg4: memref<10112xf32, #tpu.memory_space<hbm>>, %arg5: memref<632x64xf32, #tpu.memory_space<hbm>>, %arg6: memref<10112xf32, #tpu.memory_space<hbm>>, %arg7: memref<200xf32, #tpu.memory_space<hbm>>, %arg8: memref<10112x128xf32, #tpu.memory_space<hbm>>, %arg9: memref<10112x128xf32, #tpu.memory_space<hbm>>, %arg10: memref<10112xf32, #tpu.memory_space<hbm>>, %arg11: memref<10112xf32, #tpu.memory_space<hbm>>, %arg12: memref<10112xf32, #tpu.memory_space<hbm>>, %arg13: memref<10112xf32, #tpu.memory_space<hbm>>, %arg14: memref<10112x64xf32, #tpu.memory_space<vmem_shared>>, %arg15: memref<10112x64xf32, #tpu.memory_space<vmem_shared>>, %arg16: memref<10112xf32, #tpu.memory_space<vmem_shared>>, %arg17: memref<10112xf32, #tpu.memory_space<vmem_shared>>, %arg18: memref<10112xf32, #tpu.memory_space<vmem_shared>>, %arg19: memref<200x64xf32, #tpu.memory_space<vmem>>, %arg20: memref<200x64xf32, #tpu.memory_space<vmem>>, %arg21: memref<200xi32, #tpu.memory_space<vmem>>, %arg22: memref<200xi32, #tpu.memory_space<vmem>>, %arg23: memref<200xi32, #tpu.memory_space<vmem>>, %arg24: memref<200xi32, #tpu.memory_space<vmem>>, %arg25: memref<200xf32, #tpu.memory_space<vmem>>, %arg26: memref<200xf32, #tpu.memory_space<vmem>>, %arg27: memref<200xf32, #tpu.memory_space<vmem>>, %arg28: memref<!tpu.dma_semaphore, #tpu.memory_space<semaphore_mem>>, %arg29: memref<!tpu.dma_semaphore, #tpu.memory_space<semaphore_mem>>, %arg30: memref<!tpu.dma_semaphore, #tpu.memory_space<semaphore_mem>>, %arg31: memref<!tpu.dma_semaphore, #tpu.memory_space<semaphore_mem>>, %arg32: memref<!tpu.dma_semaphore, #tpu.memory_space<semaphore_mem>>) attributes {dimension_semantics = [#tpu.dimension_semantics<core_parallel>, #tpu.dimension_semantics<subcore_parallel>], iteration_bounds = array<i64: 2, 16>, scalar_prefetch = 0 : i64, scratch_operands = 19 : i64, tpu.core_type = #tpu.core_type<sc_vector_subcore>, window_params = [{transform_indices = #map}, {transform_indices = #map}, {transform_indices = #map1}, {transform_indices = #map}, {transform_indices = #map1}, {transform_indices = #map1}, {transform_indices = #map}, {transform_indices = #map}, {transform_indices = #map1}, {transform_indices = #map1}, {transform_indices = #map1}, {transform_indices = #map1}]} {
    %mul3A = arith.constant 64 : i32
    %mul3A_0 = arith.muli %arg0, %mul3A : i32
    %mul3A_1 = arith.constant 632 : i32
    %mul3A_2 = arith.muli %arg1, %mul3A_1 : i32
    %mul3A_3 = arith.constant 20000 : i32
    %mul3A_4 = arith.muli %arg1, %mul3A_3 : i32
    "tpu.region"() ({
      %run_scoped3A = tpu.sem_alloc : memref<!tpu.dma_semaphore, #tpu.memory_space<semaphore_mem>>
      %dma_start3A_49 = arith.constant 0 : i32
      %dma_start3A_50 = tpu.memref_slice %arg14[%mul3A_2, %dma_start3A_49] : memref<10112x64xf32, #tpu.memory_space<vmem_shared>> -> memref<632x64xf32, #tpu.memory_space<vmem_shared>>
      tpu.enqueue_dma source(%arg5 : memref<632x64xf32, #tpu.memory_space<hbm>>) target(%dma_start3A_50 : memref<632x64xf32, #tpu.memory_space<vmem_shared>>) target_semaphore(%run_scoped3A : memref<!tpu.dma_semaphore, #tpu.memory_space<semaphore_mem>>)
      %dma_wait3A_51 = arith.constant 0 : i32
      %dma_wait3A_52 = tpu.memref_slice %arg14[%mul3A_2, %dma_wait3A_51] : memref<10112x64xf32, #tpu.memory_space<vmem_shared>> -> memref<632x64xf32, #tpu.memory_space<vmem_shared>>
      tpu.wait_dma2 semaphore(%run_scoped3A : memref<!tpu.dma_semaphore, #tpu.memory_space<semaphore_mem>>) src(%arg5 : memref<632x64xf32, #tpu.memory_space<hbm>>) dst(%dma_wait3A_52 : memref<632x64xf32, #tpu.memory_space<vmem_shared>>)
      tpu.yield
    }) : () -> ()
    "tpu.region"() ({
      %run_scoped3A = tpu.sem_alloc : memref<!tpu.dma_semaphore, #tpu.memory_space<semaphore_mem>>
      %dma_start3A_49 = arith.constant 0 : i32
      %dma_start3A_50 = tpu.memref_slice %arg15[%mul3A_2, %dma_start3A_49] : memref<10112x64xf32, #tpu.memory_space<vmem_shared>> -> memref<632x64xf32, #tpu.memory_space<vmem_shared>>
      tpu.enqueue_dma source(%arg5 : memref<632x64xf32, #tpu.memory_space<hbm>>) target(%dma_start3A_50 : memref<632x64xf32, #tpu.memory_space<vmem_shared>>) target_semaphore(%run_scoped3A : memref<!tpu.dma_semaphore, #tpu.memory_space<semaphore_mem>>)
      %dma_wait3A_51 = arith.constant 0 : i32
      %dma_wait3A_52 = tpu.memref_slice %arg15[%mul3A_2, %dma_wait3A_51] : memref<10112x64xf32, #tpu.memory_space<vmem_shared>> -> memref<632x64xf32, #tpu.memory_space<vmem_shared>>
      tpu.wait_dma2 semaphore(%run_scoped3A : memref<!tpu.dma_semaphore, #tpu.memory_space<semaphore_mem>>) src(%arg5 : memref<632x64xf32, #tpu.memory_space<hbm>>) dst(%dma_wait3A_52 : memref<632x64xf32, #tpu.memory_space<vmem_shared>>)
      tpu.yield
    }) : () -> ()
    "tpu.region"() ({
      %run_scoped3A = tpu.sem_alloc : memref<!tpu.dma_semaphore, #tpu.memory_space<semaphore_mem>>
      tpu.enqueue_dma source(%arg7 : memref<200xf32, #tpu.memory_space<hbm>>) target(%arg27 : memref<200xf32, #tpu.memory_space<vmem>>) target_semaphore(%run_scoped3A : memref<!tpu.dma_semaphore, #tpu.memory_space<semaphore_mem>>)
      tpu.wait_dma2 semaphore(%run_scoped3A : memref<!tpu.dma_semaphore, #tpu.memory_space<semaphore_mem>>) src(%arg7 : memref<200xf32, #tpu.memory_space<hbm>>) dst(%arg27 : memref<200xf32, #tpu.memory_space<vmem>>)
      tpu.yield
    }) : () -> ()
    %eq3A = arith.constant 0 : i32
    %eq3A_5 = arith.cmpi eq, %arg1, %eq3A : i32
    %convert_element_type3A = arith.extui %eq3A_5 : i1 to i32
    %cond3A = arith.constant 0 : i32
    %cond3A_6 = arith.cmpi ne, %convert_element_type3A, %cond3A : i32
    scf.if %cond3A_6 {
      "tpu.region"() ({
        %run_scoped3A = tpu.sem_alloc : memref<!tpu.dma_semaphore, #tpu.memory_space<semaphore_mem>>
        tpu.enqueue_dma source(%arg6 : memref<10112xf32, #tpu.memory_space<hbm>>) target(%arg16 : memref<10112xf32, #tpu.memory_space<vmem_shared>>) target_semaphore(%run_scoped3A : memref<!tpu.dma_semaphore, #tpu.memory_space<semaphore_mem>>)
        tpu.wait_dma2 semaphore(%run_scoped3A : memref<!tpu.dma_semaphore, #tpu.memory_space<semaphore_mem>>) src(%arg6 : memref<10112xf32, #tpu.memory_space<hbm>>) dst(%arg16 : memref<10112xf32, #tpu.memory_space<vmem_shared>>)
        tpu.yield
      }) : () -> ()
      "tpu.region"() ({
        %run_scoped3A = tpu.sem_alloc : memref<!tpu.dma_semaphore, #tpu.memory_space<semaphore_mem>>
        tpu.enqueue_dma source(%arg6 : memref<10112xf32, #tpu.memory_space<hbm>>) target(%arg17 : memref<10112xf32, #tpu.memory_space<vmem_shared>>) target_semaphore(%run_scoped3A : memref<!tpu.dma_semaphore, #tpu.memory_space<semaphore_mem>>)
        tpu.wait_dma2 semaphore(%run_scoped3A : memref<!tpu.dma_semaphore, #tpu.memory_space<semaphore_mem>>) src(%arg6 : memref<10112xf32, #tpu.memory_space<hbm>>) dst(%arg17 : memref<10112xf32, #tpu.memory_space<vmem_shared>>)
        tpu.yield
      }) : () -> ()
      "tpu.region"() ({
        %run_scoped3A = tpu.sem_alloc : memref<!tpu.dma_semaphore, #tpu.memory_space<semaphore_mem>>
        tpu.enqueue_dma source(%arg4 : memref<10112xf32, #tpu.memory_space<hbm>>) target(%arg18 : memref<10112xf32, #tpu.memory_space<vmem_shared>>) target_semaphore(%run_scoped3A : memref<!tpu.dma_semaphore, #tpu.memory_space<semaphore_mem>>)
        tpu.wait_dma2 semaphore(%run_scoped3A : memref<!tpu.dma_semaphore, #tpu.memory_space<semaphore_mem>>) src(%arg4 : memref<10112xf32, #tpu.memory_space<hbm>>) dst(%arg18 : memref<10112xf32, #tpu.memory_space<vmem_shared>>)
        tpu.yield
      }) : () -> ()
    } else {
    }
    %barrier3A = arith.constant 0 : index
    tpu.barrier barrier_id(%barrier3A)
    %add3A = arith.constant 0 : i32
    %add3A_7 = arith.addi %mul3A_4, %add3A : i32
    %dma_start3A = tpu.memref_slice %arg2[%add3A_7, %mul3A_0] : memref<320000x128xf32, #tpu.memory_space<hbm>> -> memref<200x64xf32, #tpu.memory_space<hbm>>
    %dma_start3A_8 = tpu.memref_slice %arg2[%add3A_7, %mul3A_0] : memref<320000x128xf32, #tpu.memory_space<hbm>> -> memref<200x64xf32, #tpu.memory_space<hbm>>
    tpu.enqueue_dma source(%dma_start3A_8 : memref<200x64xf32, #tpu.memory_space<hbm>>) target(%arg19 : memref<200x64xf32, #tpu.memory_space<vmem>>) target_semaphore(%arg28 : memref<!tpu.dma_semaphore, #tpu.memory_space<semaphore_mem>>)
    %dma_start3A_9 = arith.constant 0 : i32
    %dma_start3A_10 = tpu.memref_slice %arg3[%dma_start3A_9, %add3A_7] : memref<2x320000xi32, #tpu.memory_space<hbm>> -> memref<1x200xi32, #tpu.memory_space<hbm>>
    %dma_start3A_11 = tpu.memref_squeeze %dma_start3A_10 : memref<1x200xi32, #tpu.memory_space<hbm>> -> memref<200xi32, #tpu.memory_space<hbm>>
    %dma_start3A_12 = tpu.memref_slice %arg3[%dma_start3A_9, %add3A_7] : memref<2x320000xi32, #tpu.memory_space<hbm>> -> memref<1x200xi32, #tpu.memory_space<hbm>>
    %dma_start3A_13 = tpu.memref_squeeze %dma_start3A_12 : memref<1x200xi32, #tpu.memory_space<hbm>> -> memref<200xi32, #tpu.memory_space<hbm>>
    tpu.enqueue_dma source(%dma_start3A_13 : memref<200xi32, #tpu.memory_space<hbm>>) target(%arg21 : memref<200xi32, #tpu.memory_space<vmem>>) target_semaphore(%arg28 : memref<!tpu.dma_semaphore, #tpu.memory_space<semaphore_mem>>)
    %dma_start3A_14 = arith.constant 1 : i32
    %dma_start3A_15 = tpu.memref_slice %arg3[%dma_start3A_14, %add3A_7] : memref<2x320000xi32, #tpu.memory_space<hbm>> -> memref<1x200xi32, #tpu.memory_space<hbm>>
    %dma_start3A_16 = tpu.memref_squeeze %dma_start3A_15 : memref<1x200xi32, #tpu.memory_space<hbm>> -> memref<200xi32, #tpu.memory_space<hbm>>
    %dma_start3A_17 = tpu.memref_slice %arg3[%dma_start3A_14, %add3A_7] : memref<2x320000xi32, #tpu.memory_space<hbm>> -> memref<1x200xi32, #tpu.memory_space<hbm>>
    %dma_start3A_18 = tpu.memref_squeeze %dma_start3A_17 : memref<1x200xi32, #tpu.memory_space<hbm>> -> memref<200xi32, #tpu.memory_space<hbm>>
    tpu.enqueue_dma source(%dma_start3A_18 : memref<200xi32, #tpu.memory_space<hbm>>) target(%arg23 : memref<200xi32, #tpu.memory_space<vmem>>) target_semaphore(%arg28 : memref<!tpu.dma_semaphore, #tpu.memory_space<semaphore_mem>>)
    %scan3A = arith.constant 0 : i32
    %scan3A_19 = arith.constant 50 : i32
    %scan3A_20 = arith.addi %scan3A, %scan3A_19 : i32
    %scan3A_21 = arith.constant 1 : i32
    scf.for %scan3A_49 = %scan3A to %scan3A_20 step %scan3A_21  : i32 {
      %mul3A_50 = arith.constant 2 : i32
      %mul3A_51 = arith.muli %mul3A_50, %scan3A_49 : i32
      %add3A_52 = arith.constant 0 : i32
      %add3A_53 = arith.addi %mul3A_51, %add3A_52 : i32
      %mul3A_54 = arith.constant 200 : i32
      %mul3A_55 = arith.muli %add3A_53, %mul3A_54 : i32
      %add3A_56 = arith.addi %mul3A_4, %mul3A_55 : i32
      %dma_wait3A_57 = tpu.memref_slice %arg2[%add3A_56, %mul3A_0] : memref<320000x128xf32, #tpu.memory_space<hbm>> -> memref<200x64xf32, #tpu.memory_space<hbm>>
      %dma_wait3A_58 = tpu.memref_slice %arg2[%add3A_56, %mul3A_0] : memref<320000x128xf32, #tpu.memory_space<hbm>> -> memref<200x64xf32, #tpu.memory_space<hbm>>
      tpu.wait_dma2 semaphore(%arg28 : memref<!tpu.dma_semaphore, #tpu.memory_space<semaphore_mem>>) src(%dma_wait3A_58 : memref<200x64xf32, #tpu.memory_space<hbm>>) dst(%arg19 : memref<200x64xf32, #tpu.memory_space<vmem>>)
      %dma_wait3A_59 = arith.constant 0 : i32
      %dma_wait3A_60 = tpu.memref_slice %arg3[%dma_wait3A_59, %add3A_56] : memref<2x320000xi32, #tpu.memory_space<hbm>> -> memref<1x200xi32, #tpu.memory_space<hbm>>
      %dma_wait3A_61 = tpu.memref_squeeze %dma_wait3A_60 : memref<1x200xi32, #tpu.memory_space<hbm>> -> memref<200xi32, #tpu.memory_space<hbm>>
      %dma_wait3A_62 = tpu.memref_slice %arg3[%dma_wait3A_59, %add3A_56] : memref<2x320000xi32, #tpu.memory_space<hbm>> -> memref<1x200xi32, #tpu.memory_space<hbm>>
      %dma_wait3A_63 = tpu.memref_squeeze %dma_wait3A_62 : memref<1x200xi32, #tpu.memory_space<hbm>> -> memref<200xi32, #tpu.memory_space<hbm>>
      tpu.wait_dma2 semaphore(%arg28 : memref<!tpu.dma_semaphore, #tpu.memory_space<semaphore_mem>>) src(%dma_wait3A_63 : memref<200xi32, #tpu.memory_space<hbm>>) dst(%arg21 : memref<200xi32, #tpu.memory_space<vmem>>)
      %dma_wait3A_64 = arith.constant 1 : i32
      %dma_wait3A_65 = tpu.memref_slice %arg3[%dma_wait3A_64, %add3A_56] : memref<2x320000xi32, #tpu.memory_space<hbm>> -> memref<1x200xi32, #tpu.memory_space<hbm>>
      %dma_wait3A_66 = tpu.memref_squeeze %dma_wait3A_65 : memref<1x200xi32, #tpu.memory_space<hbm>> -> memref<200xi32, #tpu.memory_space<hbm>>
      %dma_wait3A_67 = tpu.memref_slice %arg3[%dma_wait3A_64, %add3A_56] : memref<2x320000xi32, #tpu.memory_space<hbm>> -> memref<1x200xi32, #tpu.memory_space<hbm>>
      %dma_wait3A_68 = tpu.memref_squeeze %dma_wait3A_67 : memref<1x200xi32, #tpu.memory_space<hbm>> -> memref<200xi32, #tpu.memory_space<hbm>>
      tpu.wait_dma2 semaphore(%arg28 : memref<!tpu.dma_semaphore, #tpu.memory_space<semaphore_mem>>) src(%dma_wait3A_68 : memref<200xi32, #tpu.memory_space<hbm>>) dst(%arg23 : memref<200xi32, #tpu.memory_space<vmem>>)
      %dma_start3A_69 = arith.constant 0 : i32
      %dma_start3A_70 = arith.constant 0 : i32
      %dma_start3A_71 = tpu.memref_slice %arg14[%dma_start3A_69, %dma_start3A_70] : memref<10112x64xf32, #tpu.memory_space<vmem_shared>> -> memref<10112x64xf32, #tpu.memory_space<vmem_shared>>
      tpu.enqueue_indirect_dma source(%arg19 : memref<200x64xf32, #tpu.memory_space<vmem>>) target(%dma_start3A_71 : memref<10112x64xf32, #tpu.memory_space<vmem_shared>>) offsets(%arg21 : memref<200xi32, #tpu.memory_space<vmem>>) semaphore(%arg30 : memref<!tpu.dma_semaphore, #tpu.memory_space<semaphore_mem>>) {add = true}
      %dma_start3A_72 = arith.constant 0 : i32
      %dma_start3A_73 = arith.constant 0 : i32
      %dma_start3A_74 = tpu.memref_slice %arg15[%dma_start3A_72, %dma_start3A_73] : memref<10112x64xf32, #tpu.memory_space<vmem_shared>> -> memref<10112x64xf32, #tpu.memory_space<vmem_shared>>
      tpu.enqueue_indirect_dma source(%arg19 : memref<200x64xf32, #tpu.memory_space<vmem>>) target(%dma_start3A_74 : memref<10112x64xf32, #tpu.memory_space<vmem_shared>>) offsets(%arg23 : memref<200xi32, #tpu.memory_space<vmem>>) semaphore(%arg30 : memref<!tpu.dma_semaphore, #tpu.memory_space<semaphore_mem>>) {add = true}
      %eq3A_75 = arith.constant 0 : i32
      %eq3A_76 = arith.cmpi eq, %arg0, %eq3A_75 : i32
      %convert_element_type3A_77 = arith.extui %eq3A_76 : i1 to i32
      %cond3A_78 = arith.constant 0 : i32
      %cond3A_79 = arith.cmpi ne, %convert_element_type3A_77, %cond3A_78 : i32
      scf.if %cond3A_79 {
        %dma_start3A_152 = arith.constant 0 : i32
        %dma_start3A_153 = tpu.memref_slice %arg16[%dma_start3A_152] : memref<10112xf32, #tpu.memory_space<vmem_shared>> -> memref<10112xf32, #tpu.memory_space<vmem_shared>>
        tpu.enqueue_indirect_dma source(%arg27 : memref<200xf32, #tpu.memory_space<vmem>>) target(%dma_start3A_153 : memref<10112xf32, #tpu.memory_space<vmem_shared>>) offsets(%arg21 : memref<200xi32, #tpu.memory_space<vmem>>) semaphore(%arg30 : memref<!tpu.dma_semaphore, #tpu.memory_space<semaphore_mem>>) {add = true}
      } else {
      }
      %eq3A_80 = arith.constant 1 : i32
      %eq3A_81 = arith.cmpi eq, %arg0, %eq3A_80 : i32
      %convert_element_type3A_82 = arith.extui %eq3A_81 : i1 to i32
      %cond3A_83 = arith.constant 0 : i32
      %cond3A_84 = arith.cmpi ne, %convert_element_type3A_82, %cond3A_83 : i32
      scf.if %cond3A_84 {
        %dma_start3A_152 = arith.constant 0 : i32
        %dma_start3A_153 = tpu.memref_slice %arg16[%dma_start3A_152] : memref<10112xf32, #tpu.memory_space<vmem_shared>> -> memref<10112xf32, #tpu.memory_space<vmem_shared>>
        tpu.enqueue_indirect_dma source(%arg27 : memref<200xf32, #tpu.memory_space<vmem>>) target(%dma_start3A_153 : memref<10112xf32, #tpu.memory_space<vmem_shared>>) offsets(%arg23 : memref<200xi32, #tpu.memory_space<vmem>>) semaphore(%arg30 : memref<!tpu.dma_semaphore, #tpu.memory_space<semaphore_mem>>) {add = true}
      } else {
      }
      %eq3A_85 = arith.constant 0 : i32
      %eq3A_86 = arith.cmpi eq, %arg0, %eq3A_85 : i32
      %convert_element_type3A_87 = arith.extui %eq3A_86 : i1 to i32
      %cond3A_88 = arith.constant 0 : i32
      %cond3A_89 = arith.cmpi ne, %convert_element_type3A_87, %cond3A_88 : i32
      scf.if %cond3A_89 {
        %dma_start3A_152 = arith.constant 0 : i32
        %dma_start3A_153 = tpu.memref_slice %arg18[%dma_start3A_152] : memref<10112xf32, #tpu.memory_space<vmem_shared>> -> memref<10112xf32, #tpu.memory_space<vmem_shared>>
        tpu.enqueue_indirect_dma source(%dma_start3A_153 : memref<10112xf32, #tpu.memory_space<vmem_shared>>) target(%arg25 : memref<200xf32, #tpu.memory_space<vmem>>) offsets(%arg23 : memref<200xi32, #tpu.memory_space<vmem>>) semaphore(%arg32 : memref<!tpu.dma_semaphore, #tpu.memory_space<semaphore_mem>>)
        %dma_wait3A_154 = arith.constant 0 : i32
        %dma_wait3A_155 = tpu.memref_slice %arg18[%dma_wait3A_154] : memref<10112xf32, #tpu.memory_space<vmem_shared>> -> memref<10112xf32, #tpu.memory_space<vmem_shared>>
        tpu.wait_indirect_dma semaphore(%arg32 : memref<!tpu.dma_semaphore, #tpu.memory_space<semaphore_mem>>) src(%dma_wait3A_155 : memref<10112xf32, #tpu.memory_space<vmem_shared>>) dst(%arg25 : memref<200xf32, #tpu.memory_space<vmem>>)
        %dma_start3A_156 = arith.constant 0 : i32
        %dma_start3A_157 = tpu.memref_slice %arg17[%dma_start3A_156] : memref<10112xf32, #tpu.memory_space<vmem_shared>> -> memref<10112xf32, #tpu.memory_space<vmem_shared>>
        tpu.enqueue_indirect_dma source(%arg25 : memref<200xf32, #tpu.memory_space<vmem>>) target(%dma_start3A_157 : memref<10112xf32, #tpu.memory_space<vmem_shared>>) offsets(%arg21 : memref<200xi32, #tpu.memory_space<vmem>>) semaphore(%arg30 : memref<!tpu.dma_semaphore, #tpu.memory_space<semaphore_mem>>) {add = true}
      } else {
      }
      %ge3A = arith.constant 1 : i32
      %ge3A_90 = arith.cmpi sge, %add3A_53, %ge3A : i32
      %convert_element_type3A_91 = arith.extui %ge3A_90 : i1 to i32
      %cond3A_92 = arith.constant 0 : i32
      %cond3A_93 = arith.cmpi ne, %convert_element_type3A_91, %cond3A_92 : i32
      scf.if %cond3A_93 {
        %dma_wait3A_152 = arith.constant 0 : i32
        %dma_wait3A_153 = arith.constant 0 : i32
        %dma_wait3A_154 = tpu.memref_slice %arg14[%dma_wait3A_152, %dma_wait3A_153] : memref<10112x64xf32, #tpu.memory_space<vmem_shared>> -> memref<10112x64xf32, #tpu.memory_space<vmem_shared>>
        tpu.wait_indirect_dma semaphore(%arg31 : memref<!tpu.dma_semaphore, #tpu.memory_space<semaphore_mem>>) src(%arg20 : memref<200x64xf32, #tpu.memory_space<vmem>>) dst(%dma_wait3A_154 : memref<10112x64xf32, #tpu.memory_space<vmem_shared>>)
        %dma_wait3A_155 = arith.constant 0 : i32
        %dma_wait3A_156 = arith.constant 0 : i32
        %dma_wait3A_157 = tpu.memref_slice %arg15[%dma_wait3A_155, %dma_wait3A_156] : memref<10112x64xf32, #tpu.memory_space<vmem_shared>> -> memref<10112x64xf32, #tpu.memory_space<vmem_shared>>
        tpu.wait_indirect_dma semaphore(%arg31 : memref<!tpu.dma_semaphore, #tpu.memory_space<semaphore_mem>>) src(%arg20 : memref<200x64xf32, #tpu.memory_space<vmem>>) dst(%dma_wait3A_157 : memref<10112x64xf32, #tpu.memory_space<vmem_shared>>)
        %eq3A_158 = arith.constant 0 : i32
        %eq3A_159 = arith.cmpi eq, %arg0, %eq3A_158 : i32
        %convert_element_type3A_160 = arith.extui %eq3A_159 : i1 to i32
        %cond3A_161 = arith.constant 0 : i32
        %cond3A_162 = arith.cmpi ne, %convert_element_type3A_160, %cond3A_161 : i32
        scf.if %cond3A_162 {
          %dma_wait3A_173 = arith.constant 0 : i32
          %dma_wait3A_174 = tpu.memref_slice %arg16[%dma_wait3A_173] : memref<10112xf32, #tpu.memory_space<vmem_shared>> -> memref<10112xf32, #tpu.memory_space<vmem_shared>>
          tpu.wait_indirect_dma semaphore(%arg31 : memref<!tpu.dma_semaphore, #tpu.memory_space<semaphore_mem>>) src(%arg27 : memref<200xf32, #tpu.memory_space<vmem>>) dst(%dma_wait3A_174 : memref<10112xf32, #tpu.memory_space<vmem_shared>>)
        } else {
        }
        %eq3A_163 = arith.constant 1 : i32
        %eq3A_164 = arith.cmpi eq, %arg0, %eq3A_163 : i32
        %convert_element_type3A_165 = arith.extui %eq3A_164 : i1 to i32
        %cond3A_166 = arith.constant 0 : i32
        %cond3A_167 = arith.cmpi ne, %convert_element_type3A_165, %cond3A_166 : i32
        scf.if %cond3A_167 {
          %dma_wait3A_173 = arith.constant 0 : i32
          %dma_wait3A_174 = tpu.memref_slice %arg16[%dma_wait3A_173] : memref<10112xf32, #tpu.memory_space<vmem_shared>> -> memref<10112xf32, #tpu.memory_space<vmem_shared>>
          tpu.wait_indirect_dma semaphore(%arg31 : memref<!tpu.dma_semaphore, #tpu.memory_space<semaphore_mem>>) src(%arg27 : memref<200xf32, #tpu.memory_space<vmem>>) dst(%dma_wait3A_174 : memref<10112xf32, #tpu.memory_space<vmem_shared>>)
        } else {
        }
        %eq3A_168 = arith.constant 1 : i32
        %eq3A_169 = arith.cmpi eq, %arg0, %eq3A_168 : i32
        %convert_element_type3A_170 = arith.extui %eq3A_169 : i1 to i32
        %cond3A_171 = arith.constant 0 : i32
        %cond3A_172 = arith.cmpi ne, %convert_element_type3A_170, %cond3A_171 : i32
        scf.if %cond3A_172 {
          %dma_wait3A_173 = arith.constant 0 : i32
          %dma_wait3A_174 = tpu.memref_slice %arg17[%dma_wait3A_173] : memref<10112xf32, #tpu.memory_space<vmem_shared>> -> memref<10112xf32, #tpu.memory_space<vmem_shared>>
          tpu.wait_indirect_dma semaphore(%arg31 : memref<!tpu.dma_semaphore, #tpu.memory_space<semaphore_mem>>) src(%arg26 : memref<200xf32, #tpu.memory_space<vmem>>) dst(%dma_wait3A_174 : memref<10112xf32, #tpu.memory_space<vmem_shared>>)
        } else {
        }
      } else {
      }
      %add3A_94 = arith.constant 1 : i32
      %add3A_95 = arith.addi %add3A_53, %add3A_94 : i32
      %lt3A = arith.constant 100 : i32
      %lt3A_96 = arith.cmpi slt, %add3A_95, %lt3A : i32
      %convert_element_type3A_97 = arith.extui %lt3A_96 : i1 to i32
      %cond3A_98 = arith.constant 0 : i32
      %cond3A_99 = arith.cmpi ne, %convert_element_type3A_97, %cond3A_98 : i32
      scf.if %cond3A_99 {
        %add3A_152 = arith.constant 1 : i32
        %add3A_153 = arith.addi %add3A_53, %add3A_152 : i32
        %mul3A_154 = arith.constant 200 : i32
        %mul3A_155 = arith.muli %add3A_153, %mul3A_154 : i32
        %add3A_156 = arith.addi %mul3A_4, %mul3A_155 : i32
        %dma_start3A_157 = tpu.memref_slice %arg2[%add3A_156, %mul3A_0] : memref<320000x128xf32, #tpu.memory_space<hbm>> -> memref<200x64xf32, #tpu.memory_space<hbm>>
        %dma_start3A_158 = tpu.memref_slice %arg2[%add3A_156, %mul3A_0] : memref<320000x128xf32, #tpu.memory_space<hbm>> -> memref<200x64xf32, #tpu.memory_space<hbm>>
        tpu.enqueue_dma source(%dma_start3A_158 : memref<200x64xf32, #tpu.memory_space<hbm>>) target(%arg20 : memref<200x64xf32, #tpu.memory_space<vmem>>) target_semaphore(%arg29 : memref<!tpu.dma_semaphore, #tpu.memory_space<semaphore_mem>>)
        %dma_start3A_159 = arith.constant 0 : i32
        %dma_start3A_160 = tpu.memref_slice %arg3[%dma_start3A_159, %add3A_156] : memref<2x320000xi32, #tpu.memory_space<hbm>> -> memref<1x200xi32, #tpu.memory_space<hbm>>
        %dma_start3A_161 = tpu.memref_squeeze %dma_start3A_160 : memref<1x200xi32, #tpu.memory_space<hbm>> -> memref<200xi32, #tpu.memory_space<hbm>>
        %dma_start3A_162 = tpu.memref_slice %arg3[%dma_start3A_159, %add3A_156] : memref<2x320000xi32, #tpu.memory_space<hbm>> -> memref<1x200xi32, #tpu.memory_space<hbm>>
        %dma_start3A_163 = tpu.memref_squeeze %dma_start3A_162 : memref<1x200xi32, #tpu.memory_space<hbm>> -> memref<200xi32, #tpu.memory_space<hbm>>
        tpu.enqueue_dma source(%dma_start3A_163 : memref<200xi32, #tpu.memory_space<hbm>>) target(%arg22 : memref<200xi32, #tpu.memory_space<vmem>>) target_semaphore(%arg29 : memref<!tpu.dma_semaphore, #tpu.memory_space<semaphore_mem>>)
        %dma_start3A_164 = arith.constant 1 : i32
        %dma_start3A_165 = tpu.memref_slice %arg3[%dma_start3A_164, %add3A_156] : memref<2x320000xi32, #tpu.memory_space<hbm>> -> memref<1x200xi32, #tpu.memory_space<hbm>>
        %dma_start3A_166 = tpu.memref_squeeze %dma_start3A_165 : memref<1x200xi32, #tpu.memory_space<hbm>> -> memref<200xi32, #tpu.memory_space<hbm>>
        %dma_start3A_167 = tpu.memref_slice %arg3[%dma_start3A_164, %add3A_156] : memref<2x320000xi32, #tpu.memory_space<hbm>> -> memref<1x200xi32, #tpu.memory_space<hbm>>
        %dma_start3A_168 = tpu.memref_squeeze %dma_start3A_167 : memref<1x200xi32, #tpu.memory_space<hbm>> -> memref<200xi32, #tpu.memory_space<hbm>>
        tpu.enqueue_dma source(%dma_start3A_168 : memref<200xi32, #tpu.memory_space<hbm>>) target(%arg24 : memref<200xi32, #tpu.memory_space<vmem>>) target_semaphore(%arg29 : memref<!tpu.dma_semaphore, #tpu.memory_space<semaphore_mem>>)
      } else {
      }
      %mul3A_100 = arith.constant 2 : i32
      %mul3A_101 = arith.muli %mul3A_100, %scan3A_49 : i32
      %add3A_102 = arith.constant 1 : i32
      %add3A_103 = arith.addi %mul3A_101, %add3A_102 : i32
      %mul3A_104 = arith.constant 200 : i32
      %mul3A_105 = arith.muli %add3A_103, %mul3A_104 : i32
      %add3A_106 = arith.addi %mul3A_4, %mul3A_105 : i32
      %dma_wait3A_107 = tpu.memref_slice %arg2[%add3A_106, %mul3A_0] : memref<320000x128xf32, #tpu.memory_space<hbm>> -> memref<200x64xf32, #tpu.memory_space<hbm>>
      %dma_wait3A_108 = tpu.memref_slice %arg2[%add3A_106, %mul3A_0] : memref<320000x128xf32, #tpu.memory_space<hbm>> -> memref<200x64xf32, #tpu.memory_space<hbm>>
      tpu.wait_dma2 semaphore(%arg29 : memref<!tpu.dma_semaphore, #tpu.memory_space<semaphore_mem>>) src(%dma_wait3A_108 : memref<200x64xf32, #tpu.memory_space<hbm>>) dst(%arg20 : memref<200x64xf32, #tpu.memory_space<vmem>>)
      %dma_wait3A_109 = arith.constant 0 : i32
      %dma_wait3A_110 = tpu.memref_slice %arg3[%dma_wait3A_109, %add3A_106] : memref<2x320000xi32, #tpu.memory_space<hbm>> -> memref<1x200xi32, #tpu.memory_space<hbm>>
      %dma_wait3A_111 = tpu.memref_squeeze %dma_wait3A_110 : memref<1x200xi32, #tpu.memory_space<hbm>> -> memref<200xi32, #tpu.memory_space<hbm>>
      %dma_wait3A_112 = tpu.memref_slice %arg3[%dma_wait3A_109, %add3A_106] : memref<2x320000xi32, #tpu.memory_space<hbm>> -> memref<1x200xi32, #tpu.memory_space<hbm>>
      %dma_wait3A_113 = tpu.memref_squeeze %dma_wait3A_112 : memref<1x200xi32, #tpu.memory_space<hbm>> -> memref<200xi32, #tpu.memory_space<hbm>>
      tpu.wait_dma2 semaphore(%arg29 : memref<!tpu.dma_semaphore, #tpu.memory_space<semaphore_mem>>) src(%dma_wait3A_113 : memref<200xi32, #tpu.memory_space<hbm>>) dst(%arg22 : memref<200xi32, #tpu.memory_space<vmem>>)
      %dma_wait3A_114 = arith.constant 1 : i32
      %dma_wait3A_115 = tpu.memref_slice %arg3[%dma_wait3A_114, %add3A_106] : memref<2x320000xi32, #tpu.memory_space<hbm>> -> memref<1x200xi32, #tpu.memory_space<hbm>>
      %dma_wait3A_116 = tpu.memref_squeeze %dma_wait3A_115 : memref<1x200xi32, #tpu.memory_space<hbm>> -> memref<200xi32, #tpu.memory_space<hbm>>
      %dma_wait3A_117 = tpu.memref_slice %arg3[%dma_wait3A_114, %add3A_106] : memref<2x320000xi32, #tpu.memory_space<hbm>> -> memref<1x200xi32, #tpu.memory_space<hbm>>
      %dma_wait3A_118 = tpu.memref_squeeze %dma_wait3A_117 : memref<1x200xi32, #tpu.memory_space<hbm>> -> memref<200xi32, #tpu.memory_space<hbm>>
      tpu.wait_dma2 semaphore(%arg29 : memref<!tpu.dma_semaphore, #tpu.memory_space<semaphore_mem>>) src(%dma_wait3A_118 : memref<200xi32, #tpu.memory_space<hbm>>) dst(%arg24 : memref<200xi32, #tpu.memory_space<vmem>>)
      %dma_start3A_119 = arith.constant 0 : i32
      %dma_start3A_120 = arith.constant 0 : i32
      %dma_start3A_121 = tpu.memref_slice %arg14[%dma_start3A_119, %dma_start3A_120] : memref<10112x64xf32, #tpu.memory_space<vmem_shared>> -> memref<10112x64xf32, #tpu.memory_space<vmem_shared>>
      tpu.enqueue_indirect_dma source(%arg20 : memref<200x64xf32, #tpu.memory_space<vmem>>) target(%dma_start3A_121 : memref<10112x64xf32, #tpu.memory_space<vmem_shared>>) offsets(%arg22 : memref<200xi32, #tpu.memory_space<vmem>>) semaphore(%arg31 : memref<!tpu.dma_semaphore, #tpu.memory_space<semaphore_mem>>) {add = true}
      %dma_start3A_122 = arith.constant 0 : i32
      %dma_start3A_123 = arith.constant 0 : i32
      %dma_start3A_124 = tpu.memref_slice %arg15[%dma_start3A_122, %dma_start3A_123] : memref<10112x64xf32, #tpu.memory_space<vmem_shared>> -> memref<10112x64xf32, #tpu.memory_space<vmem_shared>>
      tpu.enqueue_indirect_dma source(%arg20 : memref<200x64xf32, #tpu.memory_space<vmem>>) target(%dma_start3A_124 : memref<10112x64xf32, #tpu.memory_space<vmem_shared>>) offsets(%arg24 : memref<200xi32, #tpu.memory_space<vmem>>) semaphore(%arg31 : memref<!tpu.dma_semaphore, #tpu.memory_space<semaphore_mem>>) {add = true}
      %eq3A_125 = arith.constant 0 : i32
      %eq3A_126 = arith.cmpi eq, %arg0, %eq3A_125 : i32
      %convert_element_type3A_127 = arith.extui %eq3A_126 : i1 to i32
      %cond3A_128 = arith.constant 0 : i32
      %cond3A_129 = arith.cmpi ne, %convert_element_type3A_127, %cond3A_128 : i32
      scf.if %cond3A_129 {
        %dma_start3A_152 = arith.constant 0 : i32
        %dma_start3A_153 = tpu.memref_slice %arg16[%dma_start3A_152] : memref<10112xf32, #tpu.memory_space<vmem_shared>> -> memref<10112xf32, #tpu.memory_space<vmem_shared>>
        tpu.enqueue_indirect_dma source(%arg27 : memref<200xf32, #tpu.memory_space<vmem>>) target(%dma_start3A_153 : memref<10112xf32, #tpu.memory_space<vmem_shared>>) offsets(%arg22 : memref<200xi32, #tpu.memory_space<vmem>>) semaphore(%arg31 : memref<!tpu.dma_semaphore, #tpu.memory_space<semaphore_mem>>) {add = true}
      } else {
      }
      %eq3A_130 = arith.constant 1 : i32
      %eq3A_131 = arith.cmpi eq, %arg0, %eq3A_130 : i32
      %convert_element_type3A_132 = arith.extui %eq3A_131 : i1 to i32
      %cond3A_133 = arith.constant 0 : i32
      %cond3A_134 = arith.cmpi ne, %convert_element_type3A_132, %cond3A_133 : i32
      scf.if %cond3A_134 {
        %dma_start3A_152 = arith.constant 0 : i32
        %dma_start3A_153 = tpu.memref_slice %arg16[%dma_start3A_152] : memref<10112xf32, #tpu.memory_space<vmem_shared>> -> memref<10112xf32, #tpu.memory_space<vmem_shared>>
        tpu.enqueue_indirect_dma source(%arg27 : memref<200xf32, #tpu.memory_space<vmem>>) target(%dma_start3A_153 : memref<10112xf32, #tpu.memory_space<vmem_shared>>) offsets(%arg24 : memref<200xi32, #tpu.memory_space<vmem>>) semaphore(%arg31 : memref<!tpu.dma_semaphore, #tpu.memory_space<semaphore_mem>>) {add = true}
      } else {
      }
      %eq3A_135 = arith.constant 1 : i32
      %eq3A_136 = arith.cmpi eq, %arg0, %eq3A_135 : i32
      %convert_element_type3A_137 = arith.extui %eq3A_136 : i1 to i32
      %cond3A_138 = arith.constant 0 : i32
      %cond3A_139 = arith.cmpi ne, %convert_element_type3A_137, %cond3A_138 : i32
      scf.if %cond3A_139 {
        %dma_start3A_152 = arith.constant 0 : i32
        %dma_start3A_153 = tpu.memref_slice %arg18[%dma_start3A_152] : memref<10112xf32, #tpu.memory_space<vmem_shared>> -> memref<10112xf32, #tpu.memory_space<vmem_shared>>
        tpu.enqueue_indirect_dma source(%dma_start3A_153 : memref<10112xf32, #tpu.memory_space<vmem_shared>>) target(%arg26 : memref<200xf32, #tpu.memory_space<vmem>>) offsets(%arg24 : memref<200xi32, #tpu.memory_space<vmem>>) semaphore(%arg32 : memref<!tpu.dma_semaphore, #tpu.memory_space<semaphore_mem>>)
        %dma_wait3A_154 = arith.constant 0 : i32
        %dma_wait3A_155 = tpu.memref_slice %arg18[%dma_wait3A_154] : memref<10112xf32, #tpu.memory_space<vmem_shared>> -> memref<10112xf32, #tpu.memory_space<vmem_shared>>
        tpu.wait_indirect_dma semaphore(%arg32 : memref<!tpu.dma_semaphore, #tpu.memory_space<semaphore_mem>>) src(%dma_wait3A_155 : memref<10112xf32, #tpu.memory_space<vmem_shared>>) dst(%arg26 : memref<200xf32, #tpu.memory_space<vmem>>)
        %dma_start3A_156 = arith.constant 0 : i32
        %dma_start3A_157 = tpu.memref_slice %arg17[%dma_start3A_156] : memref<10112xf32, #tpu.memory_space<vmem_shared>> -> memref<10112xf32, #tpu.memory_space<vmem_shared>>
        tpu.enqueue_indirect_dma source(%arg26 : memref<200xf32, #tpu.memory_space<vmem>>) target(%dma_start3A_157 : memref<10112xf32, #tpu.memory_space<vmem_shared>>) offsets(%arg22 : memref<200xi32, #tpu.memory_space<vmem>>) semaphore(%arg31 : memref<!tpu.dma_semaphore, #tpu.memory_space<semaphore_mem>>) {add = true}
      } else {
      }
      %ge3A_140 = arith.constant 1 : i32
      %ge3A_141 = arith.cmpi sge, %add3A_103, %ge3A_140 : i32
      %convert_element_type3A_142 = arith.extui %ge3A_141 : i1 to i32
      %cond3A_143 = arith.constant 0 : i32
      %cond3A_144 = arith.cmpi ne, %convert_element_type3A_142, %cond3A_143 : i32
      scf.if %cond3A_144 {
        %dma_wait3A_152 = arith.constant 0 : i32
        %dma_wait3A_153 = arith.constant 0 : i32
        %dma_wait3A_154 = tpu.memref_slice %arg14[%dma_wait3A_152, %dma_wait3A_153] : memref<10112x64xf32, #tpu.memory_space<vmem_shared>> -> memref<10112x64xf32, #tpu.memory_space<vmem_shared>>
        tpu.wait_indirect_dma semaphore(%arg30 : memref<!tpu.dma_semaphore, #tpu.memory_space<semaphore_mem>>) src(%arg19 : memref<200x64xf32, #tpu.memory_space<vmem>>) dst(%dma_wait3A_154 : memref<10112x64xf32, #tpu.memory_space<vmem_shared>>)
        %dma_wait3A_155 = arith.constant 0 : i32
        %dma_wait3A_156 = arith.constant 0 : i32
        %dma_wait3A_157 = tpu.memref_slice %arg15[%dma_wait3A_155, %dma_wait3A_156] : memref<10112x64xf32, #tpu.memory_space<vmem_shared>> -> memref<10112x64xf32, #tpu.memory_space<vmem_shared>>
        tpu.wait_indirect_dma semaphore(%arg30 : memref<!tpu.dma_semaphore, #tpu.memory_space<semaphore_mem>>) src(%arg19 : memref<200x64xf32, #tpu.memory_space<vmem>>) dst(%dma_wait3A_157 : memref<10112x64xf32, #tpu.memory_space<vmem_shared>>)
        %eq3A_158 = arith.constant 0 : i32
        %eq3A_159 = arith.cmpi eq, %arg0, %eq3A_158 : i32
        %convert_element_type3A_160 = arith.extui %eq3A_159 : i1 to i32
        %cond3A_161 = arith.constant 0 : i32
        %cond3A_162 = arith.cmpi ne, %convert_element_type3A_160, %cond3A_161 : i32
        scf.if %cond3A_162 {
          %dma_wait3A_173 = arith.constant 0 : i32
          %dma_wait3A_174 = tpu.memref_slice %arg16[%dma_wait3A_173] : memref<10112xf32, #tpu.memory_space<vmem_shared>> -> memref<10112xf32, #tpu.memory_space<vmem_shared>>
          tpu.wait_indirect_dma semaphore(%arg30 : memref<!tpu.dma_semaphore, #tpu.memory_space<semaphore_mem>>) src(%arg27 : memref<200xf32, #tpu.memory_space<vmem>>) dst(%dma_wait3A_174 : memref<10112xf32, #tpu.memory_space<vmem_shared>>)
        } else {
        }
        %eq3A_163 = arith.constant 1 : i32
        %eq3A_164 = arith.cmpi eq, %arg0, %eq3A_163 : i32
        %convert_element_type3A_165 = arith.extui %eq3A_164 : i1 to i32
        %cond3A_166 = arith.constant 0 : i32
        %cond3A_167 = arith.cmpi ne, %convert_element_type3A_165, %cond3A_166 : i32
        scf.if %cond3A_167 {
          %dma_wait3A_173 = arith.constant 0 : i32
          %dma_wait3A_174 = tpu.memref_slice %arg16[%dma_wait3A_173] : memref<10112xf32, #tpu.memory_space<vmem_shared>> -> memref<10112xf32, #tpu.memory_space<vmem_shared>>
          tpu.wait_indirect_dma semaphore(%arg30 : memref<!tpu.dma_semaphore, #tpu.memory_space<semaphore_mem>>) src(%arg27 : memref<200xf32, #tpu.memory_space<vmem>>) dst(%dma_wait3A_174 : memref<10112xf32, #tpu.memory_space<vmem_shared>>)
        } else {
        }
        %eq3A_168 = arith.constant 0 : i32
        %eq3A_169 = arith.cmpi eq, %arg0, %eq3A_168 : i32
        %convert_element_type3A_170 = arith.extui %eq3A_169 : i1 to i32
        %cond3A_171 = arith.constant 0 : i32
        %cond3A_172 = arith.cmpi ne, %convert_element_type3A_170, %cond3A_171 : i32
        scf.if %cond3A_172 {
          %dma_wait3A_173 = arith.constant 0 : i32
          %dma_wait3A_174 = tpu.memref_slice %arg17[%dma_wait3A_173] : memref<10112xf32, #tpu.memory_space<vmem_shared>> -> memref<10112xf32, #tpu.memory_space<vmem_shared>>
          tpu.wait_indirect_dma semaphore(%arg30 : memref<!tpu.dma_semaphore, #tpu.memory_space<semaphore_mem>>) src(%arg25 : memref<200xf32, #tpu.memory_space<vmem>>) dst(%dma_wait3A_174 : memref<10112xf32, #tpu.memory_space<vmem_shared>>)
        } else {
        }
      } else {
      }
      %add3A_145 = arith.constant 1 : i32
      %add3A_146 = arith.addi %add3A_103, %add3A_145 : i32
      %lt3A_147 = arith.constant 100 : i32
      %lt3A_148 = arith.cmpi slt, %add3A_146, %lt3A_147 : i32
      %convert_element_type3A_149 = arith.extui %lt3A_148 : i1 to i32
      %cond3A_150 = arith.constant 0 : i32
      %cond3A_151 = arith.cmpi ne, %convert_element_type3A_149, %cond3A_150 : i32
      scf.if %cond3A_151 {
        %add3A_152 = arith.constant 1 : i32
        %add3A_153 = arith.addi %add3A_103, %add3A_152 : i32
        %mul3A_154 = arith.constant 200 : i32
        %mul3A_155 = arith.muli %add3A_153, %mul3A_154 : i32
        %add3A_156 = arith.addi %mul3A_4, %mul3A_155 : i32
        %dma_start3A_157 = tpu.memref_slice %arg2[%add3A_156, %mul3A_0] : memref<320000x128xf32, #tpu.memory_space<hbm>> -> memref<200x64xf32, #tpu.memory_space<hbm>>
        %dma_start3A_158 = tpu.memref_slice %arg2[%add3A_156, %mul3A_0] : memref<320000x128xf32, #tpu.memory_space<hbm>> -> memref<200x64xf32, #tpu.memory_space<hbm>>
        tpu.enqueue_dma source(%dma_start3A_158 : memref<200x64xf32, #tpu.memory_space<hbm>>) target(%arg19 : memref<200x64xf32, #tpu.memory_space<vmem>>) target_semaphore(%arg28 : memref<!tpu.dma_semaphore, #tpu.memory_space<semaphore_mem>>)
        %dma_start3A_159 = arith.constant 0 : i32
        %dma_start3A_160 = tpu.memref_slice %arg3[%dma_start3A_159, %add3A_156] : memref<2x320000xi32, #tpu.memory_space<hbm>> -> memref<1x200xi32, #tpu.memory_space<hbm>>
        %dma_start3A_161 = tpu.memref_squeeze %dma_start3A_160 : memref<1x200xi32, #tpu.memory_space<hbm>> -> memref<200xi32, #tpu.memory_space<hbm>>
        %dma_start3A_162 = tpu.memref_slice %arg3[%dma_start3A_159, %add3A_156] : memref<2x320000xi32, #tpu.memory_space<hbm>> -> memref<1x200xi32, #tpu.memory_space<hbm>>
        %dma_start3A_163 = tpu.memref_squeeze %dma_start3A_162 : memref<1x200xi32, #tpu.memory_space<hbm>> -> memref<200xi32, #tpu.memory_space<hbm>>
        tpu.enqueue_dma source(%dma_start3A_163 : memref<200xi32, #tpu.memory_space<hbm>>) target(%arg21 : memref<200xi32, #tpu.memory_space<vmem>>) target_semaphore(%arg28 : memref<!tpu.dma_semaphore, #tpu.memory_space<semaphore_mem>>)
        %dma_start3A_164 = arith.constant 1 : i32
        %dma_start3A_165 = tpu.memref_slice %arg3[%dma_start3A_164, %add3A_156] : memref<2x320000xi32, #tpu.memory_space<hbm>> -> memref<1x200xi32, #tpu.memory_space<hbm>>
        %dma_start3A_166 = tpu.memref_squeeze %dma_start3A_165 : memref<1x200xi32, #tpu.memory_space<hbm>> -> memref<200xi32, #tpu.memory_space<hbm>>
        %dma_start3A_167 = tpu.memref_slice %arg3[%dma_start3A_164, %add3A_156] : memref<2x320000xi32, #tpu.memory_space<hbm>> -> memref<1x200xi32, #tpu.memory_space<hbm>>
        %dma_start3A_168 = tpu.memref_squeeze %dma_start3A_167 : memref<1x200xi32, #tpu.memory_space<hbm>> -> memref<200xi32, #tpu.memory_space<hbm>>
        tpu.enqueue_dma source(%dma_start3A_168 : memref<200xi32, #tpu.memory_space<hbm>>) target(%arg23 : memref<200xi32, #tpu.memory_space<vmem>>) target_semaphore(%arg28 : memref<!tpu.dma_semaphore, #tpu.memory_space<semaphore_mem>>)
      } else {
      }
    }
    %scan3A_22 = arith.constant 50 : i32
    %dma_wait3A = arith.constant 0 : i32
    %dma_wait3A_23 = arith.constant 0 : i32
    %dma_wait3A_24 = tpu.memref_slice %arg14[%dma_wait3A, %dma_wait3A_23] : memref<10112x64xf32, #tpu.memory_space<vmem_shared>> -> memref<10112x64xf32, #tpu.memory_space<vmem_shared>>
    tpu.wait_indirect_dma semaphore(%arg31 : memref<!tpu.dma_semaphore, #tpu.memory_space<semaphore_mem>>) src(%arg20 : memref<200x64xf32, #tpu.memory_space<vmem>>) dst(%dma_wait3A_24 : memref<10112x64xf32, #tpu.memory_space<vmem_shared>>)
    %dma_wait3A_25 = arith.constant 0 : i32
    %dma_wait3A_26 = arith.constant 0 : i32
    %dma_wait3A_27 = tpu.memref_slice %arg15[%dma_wait3A_25, %dma_wait3A_26] : memref<10112x64xf32, #tpu.memory_space<vmem_shared>> -> memref<10112x64xf32, #tpu.memory_space<vmem_shared>>
    tpu.wait_indirect_dma semaphore(%arg31 : memref<!tpu.dma_semaphore, #tpu.memory_space<semaphore_mem>>) src(%arg20 : memref<200x64xf32, #tpu.memory_space<vmem>>) dst(%dma_wait3A_27 : memref<10112x64xf32, #tpu.memory_space<vmem_shared>>)
    %eq3A_28 = arith.constant 0 : i32
    %eq3A_29 = arith.cmpi eq, %arg0, %eq3A_28 : i32
    %convert_element_type3A_30 = arith.extui %eq3A_29 : i1 to i32
    %cond3A_31 = arith.constant 0 : i32
    %cond3A_32 = arith.cmpi ne, %convert_element_type3A_30, %cond3A_31 : i32
    scf.if %cond3A_32 {
      %dma_wait3A_49 = arith.constant 0 : i32
      %dma_wait3A_50 = tpu.memref_slice %arg16[%dma_wait3A_49] : memref<10112xf32, #tpu.memory_space<vmem_shared>> -> memref<10112xf32, #tpu.memory_space<vmem_shared>>
      tpu.wait_indirect_dma semaphore(%arg31 : memref<!tpu.dma_semaphore, #tpu.memory_space<semaphore_mem>>) src(%arg27 : memref<200xf32, #tpu.memory_space<vmem>>) dst(%dma_wait3A_50 : memref<10112xf32, #tpu.memory_space<vmem_shared>>)
    } else {
    }
    %eq3A_33 = arith.constant 1 : i32
    %eq3A_34 = arith.cmpi eq, %arg0, %eq3A_33 : i32
    %convert_element_type3A_35 = arith.extui %eq3A_34 : i1 to i32
    %cond3A_36 = arith.constant 0 : i32
    %cond3A_37 = arith.cmpi ne, %convert_element_type3A_35, %cond3A_36 : i32
    scf.if %cond3A_37 {
      %dma_wait3A_49 = arith.constant 0 : i32
      %dma_wait3A_50 = tpu.memref_slice %arg16[%dma_wait3A_49] : memref<10112xf32, #tpu.memory_space<vmem_shared>> -> memref<10112xf32, #tpu.memory_space<vmem_shared>>
      tpu.wait_indirect_dma semaphore(%arg31 : memref<!tpu.dma_semaphore, #tpu.memory_space<semaphore_mem>>) src(%arg27 : memref<200xf32, #tpu.memory_space<vmem>>) dst(%dma_wait3A_50 : memref<10112xf32, #tpu.memory_space<vmem_shared>>)
    } else {
    }
    %eq3A_38 = arith.constant 1 : i32
    %eq3A_39 = arith.cmpi eq, %arg0, %eq3A_38 : i32
    %convert_element_type3A_40 = arith.extui %eq3A_39 : i1 to i32
    %cond3A_41 = arith.constant 0 : i32
    %cond3A_42 = arith.cmpi ne, %convert_element_type3A_40, %cond3A_41 : i32
    scf.if %cond3A_42 {
      %dma_wait3A_49 = arith.constant 0 : i32
      %dma_wait3A_50 = tpu.memref_slice %arg17[%dma_wait3A_49] : memref<10112xf32, #tpu.memory_space<vmem_shared>> -> memref<10112xf32, #tpu.memory_space<vmem_shared>>
      tpu.wait_indirect_dma semaphore(%arg31 : memref<!tpu.dma_semaphore, #tpu.memory_space<semaphore_mem>>) src(%arg26 : memref<200xf32, #tpu.memory_space<vmem>>) dst(%dma_wait3A_50 : memref<10112xf32, #tpu.memory_space<vmem_shared>>)
    } else {
    }
    %barrier3A_43 = arith.constant 0 : index
    tpu.barrier barrier_id(%barrier3A_43)
    "tpu.region"() ({
      %run_scoped3A = tpu.sem_alloc : memref<!tpu.dma_semaphore, #tpu.memory_space<semaphore_mem>>
      %dma_start3A_49 = tpu.memref_slice %arg8[%mul3A_2, %mul3A_0] : memref<10112x128xf32, #tpu.memory_space<hbm>> -> memref<632x64xf32, #tpu.memory_space<hbm>>
      %dma_start3A_50 = arith.constant 0 : i32
      %dma_start3A_51 = tpu.memref_slice %arg14[%mul3A_2, %dma_start3A_50] : memref<10112x64xf32, #tpu.memory_space<vmem_shared>> -> memref<632x64xf32, #tpu.memory_space<vmem_shared>>
      tpu.enqueue_dma source(%dma_start3A_51 : memref<632x64xf32, #tpu.memory_space<vmem_shared>>) target(%dma_start3A_49 : memref<632x64xf32, #tpu.memory_space<hbm>>) target_semaphore(%run_scoped3A : memref<!tpu.dma_semaphore, #tpu.memory_space<semaphore_mem>>)
      %dma_wait3A_52 = tpu.memref_slice %arg8[%mul3A_2, %mul3A_0] : memref<10112x128xf32, #tpu.memory_space<hbm>> -> memref<632x64xf32, #tpu.memory_space<hbm>>
      %dma_wait3A_53 = arith.constant 0 : i32
      %dma_wait3A_54 = tpu.memref_slice %arg14[%mul3A_2, %dma_wait3A_53] : memref<10112x64xf32, #tpu.memory_space<vmem_shared>> -> memref<632x64xf32, #tpu.memory_space<vmem_shared>>
      tpu.wait_dma2 semaphore(%run_scoped3A : memref<!tpu.dma_semaphore, #tpu.memory_space<semaphore_mem>>) src(%dma_wait3A_54 : memref<632x64xf32, #tpu.memory_space<vmem_shared>>) dst(%dma_wait3A_52 : memref<632x64xf32, #tpu.memory_space<hbm>>)
      tpu.yield
    }) : () -> ()
    "tpu.region"() ({
      %run_scoped3A = tpu.sem_alloc : memref<!tpu.dma_semaphore, #tpu.memory_space<semaphore_mem>>
      %dma_start3A_49 = tpu.memref_slice %arg9[%mul3A_2, %mul3A_0] : memref<10112x128xf32, #tpu.memory_space<hbm>> -> memref<632x64xf32, #tpu.memory_space<hbm>>
      %dma_start3A_50 = arith.constant 0 : i32
      %dma_start3A_51 = tpu.memref_slice %arg15[%mul3A_2, %dma_start3A_50] : memref<10112x64xf32, #tpu.memory_space<vmem_shared>> -> memref<632x64xf32, #tpu.memory_space<vmem_shared>>
      tpu.enqueue_dma source(%dma_start3A_51 : memref<632x64xf32, #tpu.memory_space<vmem_shared>>) target(%dma_start3A_49 : memref<632x64xf32, #tpu.memory_space<hbm>>) target_semaphore(%run_scoped3A : memref<!tpu.dma_semaphore, #tpu.memory_space<semaphore_mem>>)
      %dma_wait3A_52 = tpu.memref_slice %arg9[%mul3A_2, %mul3A_0] : memref<10112x128xf32, #tpu.memory_space<hbm>> -> memref<632x64xf32, #tpu.memory_space<hbm>>
      %dma_wait3A_53 = arith.constant 0 : i32
      %dma_wait3A_54 = tpu.memref_slice %arg15[%mul3A_2, %dma_wait3A_53] : memref<10112x64xf32, #tpu.memory_space<vmem_shared>> -> memref<632x64xf32, #tpu.memory_space<vmem_shared>>
      tpu.wait_dma2 semaphore(%run_scoped3A : memref<!tpu.dma_semaphore, #tpu.memory_space<semaphore_mem>>) src(%dma_wait3A_54 : memref<632x64xf32, #tpu.memory_space<vmem_shared>>) dst(%dma_wait3A_52 : memref<632x64xf32, #tpu.memory_space<hbm>>)
      tpu.yield
    }) : () -> ()
    %eq3A_44 = arith.constant 0 : i32
    %eq3A_45 = arith.cmpi eq, %arg1, %eq3A_44 : i32
    %convert_element_type3A_46 = arith.extui %eq3A_45 : i1 to i32
    %cond3A_47 = arith.constant 0 : i32
    %cond3A_48 = arith.cmpi ne, %convert_element_type3A_46, %cond3A_47 : i32
    scf.if %cond3A_48 {
      %eq3A_49 = arith.constant 0 : i32
      %eq3A_50 = arith.cmpi eq, %arg0, %eq3A_49 : i32
      %convert_element_type3A_51 = arith.extui %eq3A_50 : i1 to i32
      %cond3A_52 = arith.constant 0 : i32
      %cond3A_53 = arith.cmpi ne, %convert_element_type3A_51, %cond3A_52 : i32
      scf.if %cond3A_53 {
        "tpu.region"() ({
          %run_scoped3A = tpu.sem_alloc : memref<!tpu.dma_semaphore, #tpu.memory_space<semaphore_mem>>
          tpu.enqueue_dma source(%arg16 : memref<10112xf32, #tpu.memory_space<vmem_shared>>) target(%arg10 : memref<10112xf32, #tpu.memory_space<hbm>>) target_semaphore(%run_scoped3A : memref<!tpu.dma_semaphore, #tpu.memory_space<semaphore_mem>>)
          tpu.wait_dma2 semaphore(%run_scoped3A : memref<!tpu.dma_semaphore, #tpu.memory_space<semaphore_mem>>) src(%arg16 : memref<10112xf32, #tpu.memory_space<vmem_shared>>) dst(%arg10 : memref<10112xf32, #tpu.memory_space<hbm>>)
          tpu.yield
        }) : () -> ()
        "tpu.region"() ({
          %run_scoped3A = tpu.sem_alloc : memref<!tpu.dma_semaphore, #tpu.memory_space<semaphore_mem>>
          tpu.enqueue_dma source(%arg17 : memref<10112xf32, #tpu.memory_space<vmem_shared>>) target(%arg12 : memref<10112xf32, #tpu.memory_space<hbm>>) target_semaphore(%run_scoped3A : memref<!tpu.dma_semaphore, #tpu.memory_space<semaphore_mem>>)
          tpu.wait_dma2 semaphore(%run_scoped3A : memref<!tpu.dma_semaphore, #tpu.memory_space<semaphore_mem>>) src(%arg17 : memref<10112xf32, #tpu.memory_space<vmem_shared>>) dst(%arg12 : memref<10112xf32, #tpu.memory_space<hbm>>)
          tpu.yield
        }) : () -> ()
      } else {
      }
      %eq3A_54 = arith.constant 1 : i32
      %eq3A_55 = arith.cmpi eq, %arg0, %eq3A_54 : i32
      %convert_element_type3A_56 = arith.extui %eq3A_55 : i1 to i32
      %cond3A_57 = arith.constant 0 : i32
      %cond3A_58 = arith.cmpi ne, %convert_element_type3A_56, %cond3A_57 : i32
      scf.if %cond3A_58 {
        "tpu.region"() ({
          %run_scoped3A = tpu.sem_alloc : memref<!tpu.dma_semaphore, #tpu.memory_space<semaphore_mem>>
          tpu.enqueue_dma source(%arg16 : memref<10112xf32, #tpu.memory_space<vmem_shared>>) target(%arg11 : memref<10112xf32, #tpu.memory_space<hbm>>) target_semaphore(%run_scoped3A : memref<!tpu.dma_semaphore, #tpu.memory_space<semaphore_mem>>)
          tpu.wait_dma2 semaphore(%run_scoped3A : memref<!tpu.dma_semaphore, #tpu.memory_space<semaphore_mem>>) src(%arg16 : memref<10112xf32, #tpu.memory_space<vmem_shared>>) dst(%arg11 : memref<10112xf32, #tpu.memory_space<hbm>>)
          tpu.yield
        }) : () -> ()
        "tpu.region"() ({
          %run_scoped3A = tpu.sem_alloc : memref<!tpu.dma_semaphore, #tpu.memory_space<semaphore_mem>>
          tpu.enqueue_dma source(%arg17 : memref<10112xf32, #tpu.memory_space<vmem_shared>>) target(%arg13 : memref<10112xf32, #tpu.memory_space<hbm>>) target_semaphore(%run_scoped3A : memref<!tpu.dma_semaphore, #tpu.memory_space<semaphore_mem>>)
          tpu.wait_dma2 semaphore(%run_scoped3A : memref<!tpu.dma_semaphore, #tpu.memory_space<semaphore_mem>>) src(%arg17 : memref<10112xf32, #tpu.memory_space<vmem_shared>>) dst(%arg13 : memref<10112xf32, #tpu.memory_space<hbm>>)
          tpu.yield
        }) : () -> ()
      } else {
      }
    } else {
    }
    return
  }
}

module attributes {stable_mosaic.version = 14 : i64} {
  func.func @_pre_body(%arg0: i32, %arg1: memref<2000x128xf32, #tpu.memory_space<vmem>>, %arg2: memref<1x128xf32, #tpu.memory_space<vmem>>, %arg3: memref<2000x1xf32, #tpu.memory_space<vmem>>) attributes {dimension_semantics = [#tpu.dimension_semantics<arbitrary>], iteration_bounds = array<i64: 5>, scalar_prefetch = 0 : i64, scratch_operands = 0 : i64, tpu.core_type = #tpu.core_type<tc>, window_params = [{transform_indices = @transform_0, window_bounds = array<i64: 2000, 128>}, {pipeline_mode = #tpu.pipeline_mode<synchronous>, transform_indices = @transform_1, window_bounds = array<i64: 1, 128>}, {transform_indices = @transform_2, window_bounds = array<i64: 2000, 1>}]} {
    %get3A = arith.constant 0 : index
    %get3A_0 = arith.constant 0 : index
    %get3A_1 = vector.load %arg1[%get3A, %get3A_0] : memref<2000x128xf32, #tpu.memory_space<vmem>>, vector<2000x128xf32>
    %mul3A = arith.mulf %get3A_1, %get3A_1 : vector<2000x128xf32>
    %reduce_sum3A = arith.constant dense<0.000000e+00> : vector<2000xf32>
    %reduce_sum3A_2 = vector.multi_reduction <add>, %mul3A, %reduce_sum3A [1] : vector<2000x128xf32> to vector<2000xf32>
    %broadcast_in_dim3A = vector.shape_cast %reduce_sum3A_2 : vector<2000xf32> to vector<2000x1xf32>
    %sqrt3A = math.sqrt %broadcast_in_dim3A : vector<2000x1xf32>
    %max3A = arith.constant 1.000000e-15 : f32
    %max3A_3 = vector.broadcast %max3A : f32 to vector<2000x1xf32>
    %max3A_4 = arith.maximumf %sqrt3A, %max3A_3 : vector<2000x1xf32>
    %jit3A = arith.constant -0.99999988 : f32
    %jit3A_5 = arith.constant 0.99999988 : f32
    %max3A_6 = vector.broadcast %jit3A : f32 to vector<2000x1xf32>
    %max3A_7 = arith.maximumf %max3A_6, %max3A_4 : vector<2000x1xf32>
    %min3A = vector.broadcast %jit3A_5 : f32 to vector<2000x1xf32>
    %min3A_8 = arith.minimumf %min3A, %max3A_7 : vector<2000x1xf32>
    %log1p3A = math.log1p %min3A_8 : vector<2000x1xf32>
    %neg3A = arith.constant 0.000000e+00 : f32
    %neg3A_9 = vector.broadcast %neg3A : f32 to vector<2000x1xf32>
    %neg3A_10 = arith.subf %neg3A_9, %min3A_8 : vector<2000x1xf32>
    %log1p3A_11 = math.log1p %neg3A_10 : vector<2000x1xf32>
    %sub3A = arith.subf %log1p3A, %log1p3A_11 : vector<2000x1xf32>
    %mul3A_12 = arith.constant 5.000000e-01 : f32
    %mul3A_13 = vector.broadcast %mul3A_12 : f32 to vector<2000x1xf32>
    %mul3A_14 = arith.mulf %mul3A_13, %sub3A : vector<2000x1xf32>
    %div3A = arith.divf %mul3A_14, %max3A_4 : vector<2000x1xf32>
    %mul3A_15 = vector.broadcast %div3A : vector<2000x1xf32> to vector<2000x128xf32>
    %mul3A_16 = arith.mulf %mul3A_15, %get3A_1 : vector<2000x128xf32>
    %get3A_17 = arith.constant 0 : index
    %get3A_18 = arith.constant 0 : index
    %get3A_19 = vector.load %arg2[%get3A_17, %get3A_18] : memref<1x128xf32, #tpu.memory_space<vmem>>, vector<1x128xf32>
    %mul3A_20 = vector.broadcast %get3A_19 : vector<1x128xf32> to vector<2000x128xf32>
    %mul3A_21 = arith.mulf %mul3A_16, %mul3A_20 : vector<2000x128xf32>
    %reduce_sum3A_22 = arith.constant dense<0.000000e+00> : vector<2000xf32>
    %reduce_sum3A_23 = vector.multi_reduction <add>, %mul3A_21, %reduce_sum3A_22 [1] : vector<2000x128xf32> to vector<2000xf32>
    %broadcast_in_dim3A_24 = vector.shape_cast %reduce_sum3A_23 : vector<2000xf32> to vector<2000x1xf32>
    %swap3A = arith.constant 0 : index
    %swap3A_25 = arith.constant 0 : index
    %swap3A_26 = vector.load %arg3[%swap3A, %swap3A_25] : memref<2000x1xf32, #tpu.memory_space<vmem>>, vector<2000x1xf32>
    tpu.vector_store %arg3[%swap3A, %swap3A_25], %broadcast_in_dim3A_24 {strides = array<i32>} : memref<2000x1xf32, #tpu.memory_space<vmem>>, vector<2000x1xf32>,
    return
  }
  func.func @transform_0(%arg0: i32) -> (i32, i32) {
    %c0_i32 = arith.constant 0 : i32
    %c0_i32_0 = arith.constant 0 : i32
    return %arg0, %c0_i32 : i32, i32
  }
  func.func @transform_1(%arg0: i32) -> (i32, i32) {
    %c0_i32 = arith.constant 0 : i32
    %c0_i32_0 = arith.constant 0 : i32
    %c0_i32_1 = arith.constant 0 : i32
    return %c0_i32, %c0_i32_0 : i32, i32
  }
  func.func @transform_2(%arg0: i32) -> (i32, i32) {
    %c0_i32 = arith.constant 0 : i32
    %c0_i32_0 = arith.constant 0 : i32
    return %arg0, %c0_i32 : i32, i32
  }
}

module attributes {stable_mosaic.version = 14 : i64} {
  func.func @_post_body(%arg0: i32, %arg1: memref<2000x128xf32, #tpu.memory_space<vmem>>, %arg2: memref<2000x128xf32, #tpu.memory_space<vmem>>, %arg3: memref<2000x128xf32, #tpu.memory_space<vmem>>, %arg4: memref<2000x1xf32, #tpu.memory_space<vmem>>, %arg5: memref<2000x1xf32, #tpu.memory_space<vmem>>, %arg6: memref<2000x1xf32, #tpu.memory_space<vmem>>, %arg7: memref<2000x1xf32, #tpu.memory_space<vmem>>, %arg8: memref<1x128xf32, #tpu.memory_space<vmem>>, %arg9: memref<1x128xf32, #tpu.memory_space<vmem>>, %arg10: memref<1x1xf32, #tpu.memory_space<vmem>>, %arg11: memref<2000x128xf32, #tpu.memory_space<vmem>>) attributes {dimension_semantics = [#tpu.dimension_semantics<arbitrary>], iteration_bounds = array<i64: 5>, scalar_prefetch = 0 : i64, scratch_operands = 0 : i64, tpu.core_type = #tpu.core_type<tc>, window_params = [{transform_indices = @transform_0, window_bounds = array<i64: 2000, 128>}, {transform_indices = @transform_1, window_bounds = array<i64: 2000, 128>}, {transform_indices = @transform_2, window_bounds = array<i64: 2000, 128>}, {transform_indices = @transform_3, window_bounds = array<i64: 2000, 1>}, {transform_indices = @transform_4, window_bounds = array<i64: 2000, 1>}, {transform_indices = @transform_5, window_bounds = array<i64: 2000, 1>}, {transform_indices = @transform_6, window_bounds = array<i64: 2000, 1>}, {pipeline_mode = #tpu.pipeline_mode<synchronous>, transform_indices = @transform_7, window_bounds = array<i64: 1, 128>}, {pipeline_mode = #tpu.pipeline_mode<synchronous>, transform_indices = @transform_8, window_bounds = array<i64: 1, 128>}, {pipeline_mode = #tpu.pipeline_mode<synchronous>, transform_indices = @transform_9, window_bounds = array<i64: 1, 1>}, {transform_indices = @transform_10, window_bounds = array<i64: 2000, 128>}]} {
    %get3A = arith.constant 0 : index
    %get3A_0 = arith.constant 0 : index
    %get3A_1 = vector.load %arg1[%get3A, %get3A_0] : memref<2000x128xf32, #tpu.memory_space<vmem>>, vector<2000x128xf32>
    %mul3A = arith.mulf %get3A_1, %get3A_1 : vector<2000x128xf32>
    %reduce_sum3A = arith.constant dense<0.000000e+00> : vector<2000xf32>
    %reduce_sum3A_2 = vector.multi_reduction <add>, %mul3A, %reduce_sum3A [1] : vector<2000x128xf32> to vector<2000xf32>
    %broadcast_in_dim3A = vector.shape_cast %reduce_sum3A_2 : vector<2000xf32> to vector<2000x1xf32>
    %sqrt3A = math.sqrt %broadcast_in_dim3A : vector<2000x1xf32>
    %max3A = arith.constant 1.000000e-15 : f32
    %max3A_3 = vector.broadcast %max3A : f32 to vector<2000x1xf32>
    %max3A_4 = arith.maximumf %sqrt3A, %max3A_3 : vector<2000x1xf32>
    %jit3A = arith.constant -0.99999988 : f32
    %jit3A_5 = arith.constant 0.99999988 : f32
    %max3A_6 = vector.broadcast %jit3A : f32 to vector<2000x1xf32>
    %max3A_7 = arith.maximumf %max3A_6, %max3A_4 : vector<2000x1xf32>
    %min3A = vector.broadcast %jit3A_5 : f32 to vector<2000x1xf32>
    %min3A_8 = arith.minimumf %min3A, %max3A_7 : vector<2000x1xf32>
    %log1p3A = math.log1p %min3A_8 : vector<2000x1xf32>
    %neg3A = arith.constant 0.000000e+00 : f32
    %neg3A_9 = vector.broadcast %neg3A : f32 to vector<2000x1xf32>
    %neg3A_10 = arith.subf %neg3A_9, %min3A_8 : vector<2000x1xf32>
    %log1p3A_11 = math.log1p %neg3A_10 : vector<2000x1xf32>
    %sub3A = arith.subf %log1p3A, %log1p3A_11 : vector<2000x1xf32>
    %mul3A_12 = arith.constant 5.000000e-01 : f32
    %mul3A_13 = vector.broadcast %mul3A_12 : f32 to vector<2000x1xf32>
    %mul3A_14 = arith.mulf %mul3A_13, %sub3A : vector<2000x1xf32>
    %div3A = arith.divf %mul3A_14, %max3A_4 : vector<2000x1xf32>
    %mul3A_15 = vector.broadcast %div3A : vector<2000x1xf32> to vector<2000x128xf32>
    %mul3A_16 = arith.mulf %mul3A_15, %get3A_1 : vector<2000x128xf32>
    %get3A_17 = arith.constant 0 : index
    %get3A_18 = arith.constant 0 : index
    %get3A_19 = vector.load %arg2[%get3A_17, %get3A_18] : memref<2000x128xf32, #tpu.memory_space<vmem>>, vector<2000x128xf32>
    %get3A_20 = arith.constant 0 : index
    %get3A_21 = arith.constant 0 : index
    %get3A_22 = vector.load %arg3[%get3A_20, %get3A_21] : memref<2000x128xf32, #tpu.memory_space<vmem>>, vector<2000x128xf32>
    %get3A_23 = arith.constant 0 : index
    %get3A_24 = arith.constant 0 : index
    %get3A_25 = vector.load %arg4[%get3A_23, %get3A_24] : memref<2000x1xf32, #tpu.memory_space<vmem>>, vector<2000x1xf32>
    %get3A_26 = arith.constant 0 : index
    %get3A_27 = arith.constant 0 : index
    %get3A_28 = vector.load %arg5[%get3A_26, %get3A_27] : memref<2000x1xf32, #tpu.memory_space<vmem>>, vector<2000x1xf32>
    %get3A_29 = arith.constant 0 : index
    %get3A_30 = arith.constant 0 : index
    %get3A_31 = vector.load %arg8[%get3A_29, %get3A_30] : memref<1x128xf32, #tpu.memory_space<vmem>>, vector<1x128xf32>
    %mul3A_32 = vector.broadcast %get3A_31 : vector<1x128xf32> to vector<2000x128xf32>
    %mul3A_33 = arith.mulf %mul3A_16, %mul3A_32 : vector<2000x128xf32>
    %reduce_sum3A_34 = arith.constant dense<0.000000e+00> : vector<2000xf32>
    %reduce_sum3A_35 = vector.multi_reduction <add>, %mul3A_33, %reduce_sum3A_34 [1] : vector<2000x128xf32> to vector<2000xf32>
    %broadcast_in_dim3A_36 = vector.shape_cast %reduce_sum3A_35 : vector<2000xf32> to vector<2000x1xf32>
    %get3A_37 = arith.constant 0 : index
    %get3A_38 = arith.constant 0 : index
    %get3A_39 = vector.load %arg9[%get3A_37, %get3A_38] : memref<1x128xf32, #tpu.memory_space<vmem>>, vector<1x128xf32>
    %mul3A_40 = vector.broadcast %get3A_39 : vector<1x128xf32> to vector<2000x128xf32>
    %mul3A_41 = arith.mulf %get3A_19, %mul3A_40 : vector<2000x128xf32>
    %reduce_sum3A_42 = arith.constant dense<0.000000e+00> : vector<2000xf32>
    %reduce_sum3A_43 = vector.multi_reduction <add>, %mul3A_41, %reduce_sum3A_42 [1] : vector<2000x128xf32> to vector<2000xf32>
    %broadcast_in_dim3A_44 = vector.shape_cast %reduce_sum3A_43 : vector<2000xf32> to vector<2000x1xf32>
    %get3A_45 = arith.constant 0 : index
    %get3A_46 = arith.constant 0 : index
    %get3A_47 = vector.load %arg10[%get3A_45, %get3A_46] : memref<1x1xf32, #tpu.memory_space<vmem>>, vector<1x1xf32>
    %get3A_48 = vector.extract %get3A_47[0, 0] : f32 from vector<1x1xf32>
    %add3A = vector.broadcast %get3A_48 : f32 to vector<2000x1xf32>
    %add3A_49 = arith.addf %broadcast_in_dim3A_36, %add3A : vector<2000x1xf32>
    %mul3A_50 = arith.mulf %get3A_25, %add3A_49 : vector<2000x1xf32>
    %get3A_51 = arith.constant 0 : index
    %get3A_52 = arith.constant 0 : index
    %get3A_53 = vector.load %arg6[%get3A_51, %get3A_52] : memref<2000x1xf32, #tpu.memory_space<vmem>>, vector<2000x1xf32>
    %get3A_54 = arith.constant 0 : index
    %get3A_55 = arith.constant 0 : index
    %get3A_56 = vector.load %arg7[%get3A_54, %get3A_55] : memref<2000x1xf32, #tpu.memory_space<vmem>>, vector<2000x1xf32>
    %add3A_57 = arith.addf %get3A_53, %get3A_56 : vector<2000x1xf32>
    %add3A_58 = arith.addf %mul3A_50, %add3A_57 : vector<2000x1xf32>
    %add3A_59 = arith.addf %add3A_58, %broadcast_in_dim3A_44 : vector<2000x1xf32>
    %max3A_60 = arith.constant 1.000000e+00 : f32
    %max3A_61 = vector.broadcast %max3A_60 : f32 to vector<2000x1xf32>
    %max3A_62 = arith.maximumf %get3A_25, %max3A_61 : vector<2000x1xf32>
    %div3A_63 = vector.broadcast %max3A_62 : vector<2000x1xf32> to vector<2000x128xf32>
    %div3A_64 = arith.divf %get3A_19, %div3A_63 : vector<2000x128xf32>
    %max3A_65 = arith.constant 1.000000e+00 : f32
    %max3A_66 = vector.broadcast %max3A_65 : f32 to vector<2000x1xf32>
    %max3A_67 = arith.maximumf %get3A_28, %max3A_66 : vector<2000x1xf32>
    %div3A_68 = vector.broadcast %max3A_67 : vector<2000x1xf32> to vector<2000x128xf32>
    %div3A_69 = arith.divf %get3A_22, %div3A_68 : vector<2000x128xf32>
    %add3A_70 = arith.constant 1.000000e+00 : f32
    %add3A_71 = vector.broadcast %add3A_70 : f32 to vector<2000x1xf32>
    %add3A_72 = arith.addf %add3A_71, %add3A_59 : vector<2000x1xf32>
    %mul3A_73 = vector.broadcast %add3A_72 : vector<2000x1xf32> to vector<2000x128xf32>
    %mul3A_74 = arith.mulf %mul3A_16, %mul3A_73 : vector<2000x128xf32>
    %add3A_75 = arith.addf %mul3A_74, %div3A_64 : vector<2000x128xf32>
    %add3A_76 = arith.addf %add3A_75, %div3A_69 : vector<2000x128xf32>
    %mul3A_77 = arith.mulf %add3A_76, %add3A_76 : vector<2000x128xf32>
    %reduce_sum3A_78 = arith.constant dense<0.000000e+00> : vector<2000xf32>
    %reduce_sum3A_79 = vector.multi_reduction <add>, %mul3A_77, %reduce_sum3A_78 [1] : vector<2000x128xf32> to vector<2000xf32>
    %broadcast_in_dim3A_80 = vector.shape_cast %reduce_sum3A_79 : vector<2000xf32> to vector<2000x1xf32>
    %sqrt3A_81 = math.sqrt %broadcast_in_dim3A_80 : vector<2000x1xf32>
    %max3A_82 = arith.constant 1.000000e-15 : f32
    %max3A_83 = vector.broadcast %max3A_82 : f32 to vector<2000x1xf32>
    %max3A_84 = arith.maximumf %sqrt3A_81, %max3A_83 : vector<2000x1xf32>
    %tanh3A = math.tanh %max3A_84 : vector<2000x1xf32>
    %mul3A_85 = vector.broadcast %tanh3A : vector<2000x1xf32> to vector<2000x128xf32>
    %mul3A_86 = arith.mulf %mul3A_85, %add3A_76 : vector<2000x128xf32>
    %div3A_87 = vector.broadcast %max3A_84 : vector<2000x1xf32> to vector<2000x128xf32>
    %div3A_88 = arith.divf %mul3A_86, %div3A_87 : vector<2000x128xf32>
    %mul3A_89 = arith.mulf %div3A_88, %div3A_88 : vector<2000x128xf32>
    %reduce_sum3A_90 = arith.constant dense<0.000000e+00> : vector<2000xf32>
    %reduce_sum3A_91 = vector.multi_reduction <add>, %mul3A_89, %reduce_sum3A_90 [1] : vector<2000x128xf32> to vector<2000xf32>
    %broadcast_in_dim3A_92 = vector.shape_cast %reduce_sum3A_91 : vector<2000xf32> to vector<2000x1xf32>
    %sqrt3A_93 = math.sqrt %broadcast_in_dim3A_92 : vector<2000x1xf32>
    %max3A_94 = arith.constant 1.000000e-15 : f32
    %max3A_95 = vector.broadcast %max3A_94 : f32 to vector<2000x1xf32>
    %max3A_96 = arith.maximumf %sqrt3A_93, %max3A_95 : vector<2000x1xf32>
    %gt3A = arith.constant 0.995999991 : f32
    %gt3A_97 = vector.broadcast %gt3A : f32 to vector<2000x1xf32>
    %gt3A_98 = arith.cmpf ogt, %max3A_96, %gt3A_97 : vector<2000x1xf32>
    %div3A_99 = vector.broadcast %max3A_96 : vector<2000x1xf32> to vector<2000x128xf32>
    %div3A_100 = arith.divf %div3A_88, %div3A_99 : vector<2000x128xf32>
    %mul3A_101 = arith.constant 0.995999991 : f32
    %mul3A_102 = vector.broadcast %mul3A_101 : f32 to vector<2000x128xf32>
    %mul3A_103 = arith.mulf %div3A_100, %mul3A_102 : vector<2000x128xf32>
    %broadcast_in_dim3A_104 = vector.shape_cast %gt3A_98 : vector<2000x1xi1> to vector<2000x1xi1>
    %broadcast_in_dim3A_105 = vector.broadcast %broadcast_in_dim3A_104 : vector<2000x1xi1> to vector<2000x128xi1>
    %select_n3A = arith.select %broadcast_in_dim3A_105, %mul3A_103, %div3A_88 : vector<2000x128xi1>, vector<2000x128xf32>
    %swap3A = arith.constant 0 : index
    %swap3A_106 = arith.constant 0 : index
    %swap3A_107 = vector.load %arg11[%swap3A, %swap3A_106] : memref<2000x128xf32, #tpu.memory_space<vmem>>, vector<2000x128xf32>
    tpu.vector_store %arg11[%swap3A, %swap3A_106], %select_n3A {strides = array<i32>} : memref<2000x128xf32, #tpu.memory_space<vmem>>, vector<2000x128xf32>,
    return
  }
  func.func @transform_0(%arg0: i32) -> (i32, i32) {
    %c0_i32 = arith.constant 0 : i32
    %c0_i32_0 = arith.constant 0 : i32
    return %arg0, %c0_i32 : i32, i32
  }
  func.func @transform_1(%arg0: i32) -> (i32, i32) {
    %c0_i32 = arith.constant 0 : i32
    %c0_i32_0 = arith.constant 0 : i32
    return %arg0, %c0_i32 : i32, i32
  }
  func.func @transform_2(%arg0: i32) -> (i32, i32) {
    %c0_i32 = arith.constant 0 : i32
    %c0_i32_0 = arith.constant 0 : i32
    return %arg0, %c0_i32 : i32, i32
  }
  func.func @transform_3(%arg0: i32) -> (i32, i32) {
    %c0_i32 = arith.constant 0 : i32
    %c0_i32_0 = arith.constant 0 : i32
    return %arg0, %c0_i32 : i32, i32
  }
  func.func @transform_4(%arg0: i32) -> (i32, i32) {
    %c0_i32 = arith.constant 0 : i32
    %c0_i32_0 = arith.constant 0 : i32
    return %arg0, %c0_i32 : i32, i32
  }
  func.func @transform_5(%arg0: i32) -> (i32, i32) {
    %c0_i32 = arith.constant 0 : i32
    %c0_i32_0 = arith.constant 0 : i32
    return %arg0, %c0_i32 : i32, i32
  }
  func.func @transform_6(%arg0: i32) -> (i32, i32) {
    %c0_i32 = arith.constant 0 : i32
    %c0_i32_0 = arith.constant 0 : i32
    return %arg0, %c0_i32 : i32, i32
  }
  func.func @transform_7(%arg0: i32) -> (i32, i32) {
    %c0_i32 = arith.constant 0 : i32
    %c0_i32_0 = arith.constant 0 : i32
    %c0_i32_1 = arith.constant 0 : i32
    return %c0_i32, %c0_i32_0 : i32, i32
  }
  func.func @transform_8(%arg0: i32) -> (i32, i32) {
    %c0_i32 = arith.constant 0 : i32
    %c0_i32_0 = arith.constant 0 : i32
    %c0_i32_1 = arith.constant 0 : i32
    return %c0_i32, %c0_i32_0 : i32, i32
  }
  func.func @transform_9(%arg0: i32) -> (i32, i32) {
    %c0_i32 = arith.constant 0 : i32
    %c0_i32_0 = arith.constant 0 : i32
    %c0_i32_1 = arith.constant 0 : i32
    return %c0_i32, %c0_i32_0 : i32, i32
  }
  func.func @transform_10(%arg0: i32) -> (i32, i32) {
    %c0_i32 = arith.constant 0 : i32
    %c0_i32_0 = arith.constant 0 : i32
    return %arg0, %c0_i32 : i32, i32
  }
}

</mosaic_0001>

<sc_bundles>
// kernel: kernel.5.cloned.1.call-start
scs
__scs_entry_jumppad:
0x0: {  	(pc) =	sbr.rel $0x88, $3  }
0x1: {  	(tag) =	ssettag $0x0;
	lr =	simm.s32 $0x1  }
0x2: {  	[smem:$0x3F9C] =	sst lr;
	_ =	strace $0xD0000000  }
0x3: {  	_ = 	snop  }
0x4: {  	_ = 	snop  }
0x5: {  	_ = 	snop  }
0x6: {  	_ = 	snop  }
0x7: {  	_ = 	snop  }
__scs_overlays_trampoline_lowered:
0x8: {  	[smem:$0x3FAB] =	sst s0  }
0x9: {  	[smem:$0x3FAC] =	sst s1  }
0xa: {  	[smem:$0x3FAD] =	sst s2  }
0xb: {  	[smem:$0x3FAE] =	sst s3  }
0xc: {  	[smem:$0x3FAF] =	sst s4  }
0xd: {  	[smem:$0x3FB0] =	sst s5  }
0xe: {  	[smem:$0x3FB1] =	sst s6  }
0xf: {  	[smem:$0x3FB2] =	sst s7  }
0x10: {  	[smem:$0x3FB3] =	sst s8  }
0x11: {  	[smem:$0x3FB4] =	sst s9;
	s0 =	simm.s32 @!p0 $0x0  }
0x12: {  	s1 =	sld [smem:$0x3F9A];
	s0 =	simm.s32 @p0 $0x1  }
0x13: {  	[smem:$0x3FB5] =	sst s0;
	s0 =	simm.s32 @!p1 $0x0  }
0x14: {  	s2 =	sld [smem:$0x3F99];
	s0 =	simm.s32 @p1 $0x1  }
0x15: {  	[smem:$0x3FB6] =	sst s0;
	s0 =	simm.s32 @!p2 $0x0  }
0x16: {  	s3 =	sld [smem:$0x3FDB];
	s0 =	simm.s32 @p2 $0x1  }
0x17: {  	s4 =	simm.s32 $0x1BF5;
	[smem:$0x3FB8] =	sst s0  }
0x18: {  	s0 =	sld [smem:$0x3F9B];
	_ =	swait.ge [sflag:s4], $0x0  }
0x19: {  	s7 =	sld [smem:$0x3F9C]  }
0x1a: {  	s8 =	sadd.s32 $0xFFFFE003, lr  }
0x1b: {  	s9 =	sadd.s32 $0xFFFFFEF7, lr;
	s5 =	simm.s32 $0xFFFFFFFF;
	p2 =	slt.u32 s8, $0xFFFFF086  }
0x1c: {  	p1 =	slt.u32 s9, $0xF7A;
	s5 =	simm.s32 @!p2 $0x0  }
0x1d: {  	s5 =	simm.s32 @p1 $0x1;
	p0 =	seq.s32 s7, s2  }
0x1e: {  	s7 =	smul.u32 @!p0 $0xF7A, s2;
	p2 =	seq.s32 @!p0 s5, $0x0  }
0x1f: {  	s9 =	smul.u32 $0xF7A, s1;
	s8 =	simm.s32 @!p0 $0x1BF5;
	p2 =	por !p2, p0  }
0x20: {  	[sflag:s8] =	ssyncset.s32 @!p0 $0xFFFFF086;
	s6 =	sadd.s32 @!p0 s3, s7;
	s7 =	simm.s32 @!p0 $0x108  }
0x21: {  	s3 =	sadd.s32 s3, s9;
	s6 =	sadd.s32 @!p0 $0x88, s6;
	s7 =	simm.s32 @p2 $0x1082  }
0x22: {  	[simem:s7], [sflag:s8] =	dma.local @!p0 [hbm:s6], $0xF7A  }
0x23: {  	s9 =	sor.u32 $0xD0000000, s2;
	s6 =	simm.s32 $0x108;
	_ =	swait.ge @!p0 [sflag:s8], $0x0  }
0x24: {  	s3 =	sadd.s32 $0x88, s3;
	s6 =	simm.s32 @!p1 $0x1082;
	[sflag:s4] =	ssyncset.s32 $0xFFFFF086  }
0x25: {  	[simem:s6], [sflag:s4] =	dma.local [hbm:s3], $0xF7A  }
0x26: {  	[smem:$0x3F9C] =	sst s1;
	(tag) =	ssettag s2;
	_ =	strace s9  }
0x27: {  	s1 =	sld [smem:$0x3FAC]  }
0x28: {  	s2 =	sld [smem:$0x3FAD]  }
0x29: {  	s4 =	sld [smem:$0x3FAF]  }
0x2a: {  	p0 =	seq.s32 s5, $0x0;
	s5 =	sld [smem:$0x3FB0]  }
0x2b: {  	s6 =	sld [smem:$0x3FB1]  }
0x2c: {  	s7 =	sld [smem:$0x3FB2]  }
0x2d: {  	s3 =	simm.s32 $0x108;
	s8 =	sld [smem:$0x3FB3]  }
0x2e: {  	s3 =	simm.s32 @!p0 $0x1082;
	s9 =	sld [smem:$0x3FB4]  }
0x2f: {  	lr =	sadd.s32 s0, s3;
	s0 =	sld [smem:$0x3FAB]  }
0x30: {  	s3 =	sld [smem:$0x3FAE]  }
0x31: {  	[smem:$0x3FB7] =	sst s10  }
0x32: {  	s10 =	sld [smem:$0x3FB5];
	_ =	sdelay $0x3  }
0x33: {  	p0 =	seq.s32 s10, $0x1;
	s10 =	sld [smem:$0x3FB7];
	_ =	sdelay $0x3  }
0x34: {  	[smem:$0x3FB7] =	sst s10  }
0x35: {  	s10 =	sld [smem:$0x3FB6];
	_ =	sdelay $0x3  }
0x36: {  	p1 =	seq.s32 s10, $0x1;
	s10 =	sld [smem:$0x3FB7];
	_ =	sdelay $0x3  }
0x37: {  	[smem:$0x3FB7] =	sst s10  }
0x38: {  	s10 =	sld [smem:$0x3FB8]  }
0x39: {  	_ = 	snop;
	(pc) =	sbr.ind lr, $3  }
0x3a: {  	_ = 	snop  }
0x3b: {  	_ = 	snop  }
0x3c: {  	p2 =	seq.s32 s10, $0x1;
	s10 =	sld [smem:$0x3FB7]  }
0x3d: {  	_ =	shalt  }
0x3e: {  	_ =	shalt  }
0x3f: {  	_ =	shalt  }
0x40: {  	_ =	shalt  }
0x41: {  	_ =	shalt  }
0x42: {  	_ =	shalt  }
0x43: {  	_ =	shalt  }
0x44: {  	_ =	shalt  }
0x45: {  	_ =	shalt  }
0x46: {  	_ =	shalt  }
0x47: {  	_ =	shalt  }
0x48: {  	_ =	shalt  }
0x49: {  	_ =	shalt  }
0x4a: {  	_ =	shalt  }
0x4b: {  	_ =	shalt  }
0x4c: {  	_ =	shalt  }
0x4d: {  	_ =	shalt  }
0x4e: {  	_ =	shalt  }
0x4f: {  	_ =	shalt  }
0x50: {  	_ =	shalt  }
0x51: {  	_ =	shalt  }
0x52: {  	_ =	shalt  }
0x53: {  	_ =	shalt  }
0x54: {  	_ =	shalt  }
0x55: {  	_ =	shalt  }
0x56: {  	_ =	shalt  }
0x57: {  	_ =	shalt  }
0x58: {  	_ =	shalt  }
0x59: {  	_ =	shalt  }
0x5a: {  	_ =	shalt  }
0x5b: {  	_ =	shalt  }
0x5c: {  	_ =	shalt  }
0x5d: {  	_ =	shalt  }
0x5e: {  	_ =	shalt  }
0x5f: {  	_ =	shalt  }
0x60: {  	_ =	shalt  }
0x61: {  	_ =	shalt  }
0x62: {  	_ =	shalt  }
0x63: {  	_ =	shalt  }
0x64: {  	_ =	shalt  }
0x65: {  	_ =	shalt  }
0x66: {  	_ =	shalt  }
0x67: {  	_ =	shalt  }
0x68: {  	_ =	shalt  }
0x69: {  	_ =	shalt  }
0x6a: {  	_ =	shalt  }
0x6b: {  	_ =	shalt  }
0x6c: {  	_ =	shalt  }
0x6d: {  	_ =	shalt  }
0x6e: {  	_ =	shalt  }
0x6f: {  	_ =	shalt  }
0x70: {  	_ =	shalt  }
0x71: {  	_ =	shalt  }
0x72: {  	_ =	shalt  }
0x73: {  	_ =	shalt  }
0x74: {  	_ =	shalt  }
0x75: {  	_ =	shalt  }
0x76: {  	_ =	shalt  }
0x77: {  	_ =	shalt  }
0x78: {  	_ =	shalt  }
0x79: {  	_ =	shalt  }
0x7a: {  	_ =	shalt  }
0x7b: {  	_ =	shalt  }
0x7c: {  	_ =	shalt  }
0x7d: {  	_ =	shalt  }
0x7e: {  	_ =	shalt  }
0x7f: {  	_ =	shalt  }
0x80: {  	_ =	shalt  }
0x81: {  	_ =	shalt  }
0x82: {  	_ =	shalt  }
0x83: {  	_ =	shalt  }
0x84: {  	_ =	shalt  }
0x85: {  	_ =	shalt  }
0x86: {  	_ =	shalt  }
0x87: {  	_ =	shalt  }
.Lfunc_end0:
.L_simem_size_0:
called_computation_lowered:
.L_overlay_start_0:
0x88: {  	s2 =	sld [smem:$0x3FD9]  }
0x89: {  	s3 =	sld [smem:$0x3FFE];
	_ =	sdelay $0x1  }
0x8a: {  	s1 =	srdreg.scid  }
0x8b: {  	s0 =	sand.u32 $0x1, s1  }
0x8c: {  	s17 =	sshll.u32 s0, $0xA;
	s2 =	sadd.s32 s3, s2  }
0x8d: {  	s2 =	sadd.s32 s2, s17  }
0x8e: {  	[smem:$0x3FC3] =	sst s2  }
0x8f: {  	_ = 	snop  }
0x90: {  	s2 =	sld [smem:$0x3FC7]  }
0x91: {  	s18 =	sld [smem:$0x3FD0];
	(tm) =	ssettm $0x1  }
0x92: {  	s4 =	sld [smem:$0x3FFB];
	_ =	sdelay $0x3  }
0x93: {  	_ =	strace s4  }
0x94: {  	s4 =	sld [smem:$0x3FFC];
	_ =	sdelay $0x3  }
0x95: {  	_ =	strace s4  }
0x96: {  	s4 =	sld [smem:$0x3FFD];
	_ =	sdelay $0x3  }
0x97: {  	_ =	strace s4  }
0x98: {  	_ =	strace $0x8FFFFFFF  }
0x99: {  	s19 =	sld [smem:$0x3FDB];
	_ =	sdelay $0x1  }
0x9a: {  	s5 =	simm.s32 $_scs_section_size  }
0x9b: {  	s6 =	simm.s32 $_size__tile_overlayer_lowered;
	s7 =	simm.s32 $_tile_overlayer_lowered  }
0x9c: {  	s22 =	simm.s32 $0x1BFF;
	s21 =	sshll.u32 s7, $0x1;
	s4 =	sadd.s32 s5, s19  }
0x9d: {  	s8 =	simm.s32 $0x0;
	s20 =	sshll.u32 s6, $0x1;
	s6 =	sadd.s32 s21, s4  }
0x9e: {  	[timem:s8], [sflag:s22] =	dma.local [hbm:s6], s20  }
0x9f: {  	_ =	swait.ge [sflag:s22], s20  }
0xa0: {  	s5 =	ssub.s32 $0x0, s20;
	[sflag:s22] =	ssyncset.done $0x0  }
0xa1: {  	[sflag:s22] =	ssyncadd.s32 s5;
	_ =	sdelay $0x1  }
0xa2: {  	s23 =	simm.s32 $0x1B8B  }
0xa3: {  	_ =	swait.ge [sflag:s23], $0x1  }
0xa4: {  	[sflag:s23] =	ssyncset.done $0x0  }
0xa5: {  	s25 =	simm.s32 $0x1B8E;
	s24 =	sld [smem:$0x3FFE];
	[sflag:s23] =	ssyncadd.s32 $0xFFFFFFFF  }
0xa6: {  	s26 =	simm.s32 $execute0_lowered;
	[smem:$0x3FD2] =	sst s25  }
0xa7: {  	s6 =	sshll.u32 s26, $0x1;
	_ =	strace $0x80000046;
	[dreg:$0x1] =	wrdreg $0xFFFFFFFF  }
0xa8: {  	s28 =	simm.s32 $_size_execute0_lowered;
	s4 =	sadd.s32 s4, s6;
	[dreg:$0x0] =	wrdreg $0x0  }
0xa9: {  	s6 =	sshll.u32 s28, $0x1;
	[dreg:$0x2] =	wrdreg s4  }
0xaa: {  	[dreg:$0x3] =	wrdreg s6  }
0xab: {  	[dreg:$0x4] =	wrdreg $0xC0  }
0xac: {  	_ =	task [dreg:s8], $0x5FFFF  }
0xad: {  	[dreg:$0x1] =	wrdreg $0xFFFFFFFF  }
0xae: {  	[dreg:$0x0] =	wrdreg $0x60  }
0xaf: {  	[dreg:$0x2] =	wrdreg s2  }
0xb0: {  	[dreg:$0x3] =	wrdreg s18  }
0xb1: {  	[dreg:$0x4] =	wrdreg s24  }
0xb2: {  	[dreg:$0x5] =	wrdreg $0x0  }
0xb3: {  	[dreg:$0x6] =	wrdreg $0x9E000  }
0xb4: {  	[dreg:$0x7] =	wrdreg $0x13C000  }
0xb5: {  	[dreg:$0x8] =	wrdreg $0x13E780  }
0xb6: {  	[dreg:$0x9] =	wrdreg $0x140F00  }
0xb7: {  	[dreg:$0xa] =	wrdreg $0x9  }
0xb8: {  	_ =	task.clear_ibuf [dreg:s8], $0xBFFFF;
	_ =	strace $0x90000046  }
0xb9: {  	s29 =	simm.s32 $0x9;
	_ =	strace $0x80000048  }
0xba: {  	_ =	swait.ge [sflag:s29], $0x1  }
0xbb: {  	[sflag:s29] =	ssyncadd.s32 $0xFFFFFFFF  }
0xbc: {  	_ =	strace $0x90000048  }
0xbd: {  	_ =	sfence  }
0xbe: {  	s30 =	sld [smem:$0x0];
	_ =	sdelay $0x2  }
0xbf: {  	s31 =	sshll.u32 s1, $0xD;
	s1 =	sshrl.u32 s1, $0x2  }
0xc0: {  	s3 =	sand.u32 $0x4000, s31;
	s1 =	sadd.s32 s1, s30  }
0xc1: {  	s0 =	sor.u32 s3, s0;
	s1 =	sshll.u32 s1, $0x11  }
0xc2: {  	s0 =	sor.u32 s1, s0  }
0xc3: {  	s0 =	sadd.s32 $0x8F2B, s0  }
0xc4: {  	[sflag:s0] =	ssyncadd.remote.s32 $0x1  }
0xc5: {  	_ =	sfence.sel $0xFFFF  }
0xc6: {  	[dreg:$0x0] =	wrdreg $0xFFFFFFFF;
	(pc) =	sbr.abs _section_cstart, $3  }
0xc7: {  	[dreg:$0x1] =	wrdreg $0xFFFFFFFF  }
0xc8: {  	_ =	task.clear_ibuf [dreg:s8], $0x2FFFF;
	_ =	strace $0x9FFFFFFF  }
0xc9: {  	(tm) =	ssettm $0x7FFFFFFF  }
tec
execute0_lowered:
.L_overlay_start_1:
0x0: {  	(tag) =	ssettag $0x1  }
0x1: {  	s0 =	rddreg [dreg:$0x0]  }
0x2: {  	s1 =	rddreg [dreg:$0x1]  }
0x3: {  	s9 =	rddreg [dreg:$0x2]  }
0x4: {  	s2 =	rddreg [dreg:$0x3]  }
0x5: {  	s3 =	rddreg [dreg:$0x4]  }
0x6: {  	s4 =	rddreg [dreg:$0x5]  }
0x7: {  	s5 =	rddreg [dreg:$0x6]  }
0x8: {  	s6 =	rddreg [dreg:$0x7]  }
0x9: {  	s8 =	srdreg.scid;
	s10 =	stileid.u32  }
0xa: {  	s7 =	simm.s32 $0x0;
	s28 =	simm.s32 $0x6;
	s30 =	simm.s32 $0x40  }
0xb: {  	s31 =	simm.s32 $0x80;
	s29 =	simm.s32 $0x1A768;
	s8 =	sand.u32 $0x1, s8  }
0xc: {  	s11 =	smul.u32 $0x13C00, s10;
	[smem:$0x7FF] =	sst s7;
	s13 =	sadd.s32 $0x1A00, s9  }
0xd: {  	s21 =	sadd.s32 $0x2800, s9;
	s22 =	sadd.s32 $0x2200, s9;
	s23 =	sadd.s32 $0x2000, s9  }
0xe: {  	s19 =	sadd.s32 $0x4200, s9;
	s15 =	smul.u32 $0x4E20, s10;
	s17 =	sadd.s32 $0x4800, s9  }
0xf: {  	s18 =	smul.u32 $0x271000, s10;
	_ =	strace $0x80000047;
	[dreg:$0x9] =	wrdreg s13  }
0x10: {  	s20 =	sadd.s32 $0x4E00, s9;
	s24 =	smul.u32 $0x9E00, s10;
	[dreg:$0xa] =	wrdreg s21  }
0x11: {  	s25 =	sshll.u32 s10, $0x6;
	p1 =	sne.s32 s10, $0x0;
	[dreg:$0xb] =	wrdreg s22  }
0x12: {  	s12 =	sshll.u32 s8, $0x6;
	[dreg:$0xc] =	wrdreg s23;
	s13 =	sadd.s32 $0x3C00, s9  }
0x13: {  	s14 =	ssub.s32 $0x2, s8;
	p0 =	seq.s32 s8, $0x0;
	p2 =	sne.s32 s8, $0x0  }
0x14: {  	s11 =	sor.u32 s12, s11;
	s16 =	sshrl.u32 s14, $0x1;
	s12 =	sor.u32 s12, s18  }
0x15: {  	s26 =	sadd.s32 s24, s2;
	s19 =	smov.u32 @p0 s13;
	s20 =	smov.u32 @p0 s17  }
0x16: {  	s21 =	sshrl.u32 s15, $0x3;
	s15 =	simm.s32 $0xC8;
	[dreg:$0xf] =	wrdreg s26  }
0x17: {  	s17 =	simm.s32 $0x1A830;
	s18 =	simm.s32 $0x1A9C0;
	[dreg:$0xd] =	wrdreg s19  }
0x18: {  	s11 =	sshrl.u32 s11, $0x3;
	s19 =	sshrl.u32 s12, $0x3;
	[dreg:$0xe] =	wrdreg s20  }
0x19: {  	s20 =	smul.u32 $0x9C4, s10;
	s11 =	sadd.s32 s11, s9;
	s9 =	ssub.s32 s14, s16  }
0x1a: {  	s16 =	sor.u32 $0x1C06, s25;
	s14 =	sadd.s32 s24, s3;
	s13 =	sadd.s32 s0, s19  }
0x1b: {  	s24 =	sadd.s32 $0x6400, s12;
	s25 =	sadd.s32 $0xC800, s12;
	[dreg:$0x10] =	wrdreg s14  }
0x1c: {  	s12 =	simm.s32 $0x1;
	[dreg:$0x11] =	wrdreg s13;
	s13 =	sadd.s32 s1, s21  }
0x1d: {  	s20 =	sadd.s32 s20, s1;
	s22 =	sadd.s32 $0x5400, s11;
	[dreg:$0x16] =	wrdreg s25  }
0x1e: {  	s23 =	sadd.s32 $0x2CC00, s11;
	s9 =	smax.u32 s9, $0x1;
	[dreg:$0x13] =	wrdreg s22  }
.Ltmp0:
0x1f: {  	s1 =	sshrl.u32 s24, $0x3;
	[dreg:$0x14] =	wrdreg s23;
	(pc) =	sbr.rel .LBB2_1-.Ltmp0, $4  }
0x20: {  	s14 =	simm.s32 $0x2;
	s21 =	simm.s32 $0x3;
	[dreg:$0x15] =	wrdreg s9  }
0x21: {  	s24 =	simm.s32 $0x0;
	s1 =	sadd.s32 s1, s0;
	[dreg:$0x12] =	wrdreg s13  }
0x22: {  	s26 =	sadd.s32 $0x9C40, s13;
	s9 =	simm.s32 $0x1A8F8;
	[dreg:$0x17] =	wrdreg s1  }
0x23: {  	s13 =	simm.s32 $0x17568;
	[dreg:$0x18] =	wrdreg s26;
	s1 =	simm.s32 $0x14368  }
.LBB2_4:
0x24: {  	s10 =	simm.s32 $0x4  }
0x25: {  	_ =	swait.ge [sflag:s10], $0x3200  }
0x26: {  	[sflag:s10] =	ssyncset.done $0x0  }
0x27: {  	[sflag:s10] =	ssyncadd.s32 $0xFFFFCE00  }
0x28: {  	_ =	swait.ge [sflag:s10], $0x3200  }
0x29: {  	[sflag:s10] =	ssyncset.done $0x0  }
0x2a: {  	[sflag:s10] =	ssyncadd.s32 $0xFFFFCE00  }
0x2b: {  	_ =	swait.ge [sflag:s10], $0xC8  }
0x2c: {  	[sflag:s10] =	ssyncset.done $0x0  }
0x2d: {  	[sflag:s10] =	ssyncadd.s32 $0xFFFFFF38;
	s10 =	simm.s32 @!p0 $0x4  }
0x2e: {  	_ =	swait.ge @!p0 [sflag:s10], $0xC8  }
0x2f: {  	[sflag:s10] =	ssyncset.done @!p0 $0x0  }
0x30: {  	[sflag:s10] =	ssyncadd.s32 @!p0 $0xFFFFFF38  }
0x31: {  	[bflag:$0x0] =	sbarrier.arrive $0xFFFF  }
0x32: {  	s26 =	rddreg [dreg:$0x13]  }
0x33: {  	s11 =	simm.s32 $0x10;
	s19 =	simm.s32 $0x8;
	s22 =	rddreg [dreg:$0x19]  }
0x34: {  	[hbm:s26@s11], [sflag:s16] =	dma.strided [spmem:s22@s19], $0x13C0, s12, $0x8   }
0x35: {  	_ =	swait.ge [sflag:s28], $0x13C0  }
0x36: {  	[sflag:s28] =	ssyncset.done $0x0;
	s23 =	rddreg [dreg:$0x14]  }
0x37: {  	s25 =	rddreg [dreg:$0x1a];
	[sflag:s28] =	ssyncadd.s32 $0xFFFFEC40  }
0x38: {  	[hbm:s23@s11], [sflag:s16] =	dma.strided [spmem:s25@s19], $0x13C0, s12, $0x8   }
0x39: {  	_ =	swait.ge [sflag:s28], $0x13C0  }
0x3a: {  	[sflag:s28] =	ssyncset.done $0x0;
	s10 =	rddreg [dreg:$0xd]  }
0x3b: {  	s11 =	rddreg [dreg:$0x1b];
	[sflag:s28] =	ssyncadd.s32 $0xFFFFEC40  }
0x3c: {  	[hbm:s10], [sflag:s16] =	dma.local @!p1 [spmem:s11], $0x4F0  }
0x3d: {  	s10 =	simm.s32 @!p1 $0x6  }
0x3e: {  	_ =	swait.ge @!p1 [sflag:s10], $0x4F0  }
0x3f: {  	[sflag:s10] =	ssyncset.done @!p1 $0x0;
	s11 =	rddreg [dreg:$0xe]  }
0x40: {  	s19 =	rddreg [dreg:$0x1c];
	[sflag:s10] =	ssyncadd.s32 @!p1 $0xFFFFFB10  }
0x41: {  	[hbm:s11], [sflag:s16] =	dma.local @!p1 [spmem:s19], $0x4F0  }
0x42: {  	_ =	swait.ge @!p1 [sflag:s10], $0x4F0  }
0x43: {  	s24 =	sadd.s32 $0x1, s24;
	s26 =	rddreg [dreg:$0x15]  }
0x44: {  	p3 =	sne.s32 s24, s26  }
.Ltmp1:
0x45: {  	_ = 	snop;
	(pc) =	sbr.rel @!p3 .LBB2_5-.Ltmp1, $3  }
0x46: {  	_ =	sdelay $0x1  }
0x47: {  	[sflag:s10] =	ssyncset.done @!p1 $0x0  }
0x48: {  	[sflag:s10] =	ssyncadd.s32 @!p1 $0xFFFFFB10  }
.LBB2_1:
0x49: {  	s10 =	rddreg [dreg:$0xf]  }
0x4a: {  	s25 =	rddreg [dreg:$0xa];
	s11 =	sshrl.u32 s10, $0x3  }
0x4b: {  	[dreg:$0x19] =	wrdreg s11  }
0x4c: {  	[spmem:s11], [sflag:s16] =	dma.local [hbm:s25], $0x13C0  }
0x4d: {  	_ =	swait.ge [sflag:s28], $0x13C0  }
0x4e: {  	s26 =	rddreg [dreg:$0x10]  }
0x4f: {  	[sflag:s28] =	ssyncset.done $0x0;
	s11 =	sshrl.u32 s26, $0x3  }
0x50: {  	[sflag:s28] =	ssyncadd.s32 $0xFFFFEC40;
	[dreg:$0x1a] =	wrdreg s11  }
0x51: {  	[spmem:s11], [sflag:s16] =	dma.local [hbm:s25], $0x13C0  }
0x52: {  	_ =	swait.ge [sflag:s28], $0x13C0  }
0x53: {  	[sflag:s28] =	ssyncset.done $0x0  }
0x54: {  	s22 =	simm.s32 $0x1AC18;
	s19 =	rddreg [dreg:$0xc];
	[sflag:s28] =	ssyncadd.s32 $0xFFFFEC40  }
0x55: {  	[tilespmem:s22], [sflag:$0x6] =	stream.linear.gather [hbm4b:s19+s7], $0xC8, $0x38;
	[tilespmem:$0x1ACE0] =	vst v63  }
0x56: {  	s10 =	sshrl.u32 @!p1 s4, $0x3;
	_ =	swait.ge [sflag:s28], $0xC8  }
0x57: {  	[dreg:$0x1b] =	wrdreg s10;
	[sflag:s28] =	ssyncset.done $0x0  }
0x58: {  	s11 =	rddreg [dreg:$0xb];
	[sflag:s28] =	ssyncadd.s32 $0xFFFFFF38  }
0x59: {  	[spmem:s10], [sflag:s16] =	dma.local @!p1 [hbm:s11], $0x4F0  }
0x5a: {  	s10 =	simm.s32 @!p1 $0x6  }
0x5b: {  	_ =	swait.ge @!p1 [sflag:s10], $0x4F0  }
0x5c: {  	s19 =	sshrl.u32 @!p1 s5, $0x3;
	[sflag:s10] =	ssyncset.done @!p1 $0x0  }
0x5d: {  	[dreg:$0x1c] =	wrdreg s19;
	[sflag:s10] =	ssyncadd.s32 @!p1 $0xFFFFFB10  }
0x5e: {  	[spmem:s19], [sflag:s16] =	dma.local @!p1 [hbm:s11], $0x4F0  }
0x5f: {  	_ =	swait.ge @!p1 [sflag:s10], $0x4F0  }
0x60: {  	[sflag:s10] =	ssyncset.done @!p1 $0x0  }
0x61: {  	s11 =	sshrl.u32 @!p1 s6, $0x3;
	s19 =	rddreg [dreg:$0x9];
	[sflag:s10] =	ssyncadd.s32 @!p1 $0xFFFFFB10  }
0x62: {  	[spmem:s11], [sflag:s16] =	dma.local @!p1 [hbm:s19], $0x4F0  }
0x63: {  	_ =	swait.ge @!p1 [sflag:s10], $0x4F0  }
0x64: {  	[sflag:s10] =	ssyncset.done @!p1 $0x0  }
0x65: {  	[sflag:s10] =	ssyncadd.s32 @!p1 $0xFFFFFB10  }
0x66: {  	[bflag:$0x0] =	sbarrier.arrive $0xFFFF  }
0x67: {  	s23 =	rddreg [dreg:$0x11]  }
0x68: {  	s25 =	rddreg [dreg:$0x12]  }
0x69: {  	[tilespmem:s1], [sflag:$0x1] =	stream.strided.gather [hbm4b:s23+s30], $0x3200, s31, s30, $0x38;
	[tilespmem:$0x1ACE0] =	vst v63  }
0x6a: {  	s26 =	rddreg [dreg:$0x18]  }
0x6b: {  	[tilespmem:s29], [sflag:$0x1] =	stream.linear.gather [hbm4b:s25+s7], $0xC8, $0x38;
	[tilespmem:$0x1ACE0] =	vst v63  }
0x6c: {  	s10 =	rddreg [dreg:$0x17]  }
0x6d: {  	[tilespmem:s9], [sflag:$0x1] =	stream.linear.gather [hbm4b:s26+s7], $0xC8, $0x38;
	[tilespmem:$0x1ACE0] =	vst v63  }
0x6e: {  	s11 =	rddreg [dreg:$0x16];
	s26 =	simm.s32 $0x0  }
.LBB2_2:
0x6f: {  	_ =	swait.ge [sflag:s12], $0x3200  }
0x70: {  	[sflag:s12] =	ssyncset.done $0x0  }
0x71: {  	[sflag:s12] =	ssyncadd.s32 $0xFFFFCE00  }
0x72: {  	_ =	swait.ge [sflag:s12], $0xC8  }
0x73: {  	[sflag:s12] =	ssyncset.done $0x0  }
0x74: {  	[sflag:s12] =	ssyncadd.s32 $0xFFFFFF38  }
0x75: {  	_ =	swait.ge [sflag:s12], $0xC8  }
0x76: {  	[sflag:s12] =	ssyncset.done $0x0  }
0x77: {  	[sflag:s12] =	ssyncadd.s32 $0xFFFFFF38  }
0x78: {  	[spmem:s2] =	stream.indirect.scatter.add.f32 [tilespmem:s1], [sflag:$0x3], $0x40, s29, s15, $0xb8;
	[tilespmem:$0x1ACE0] =	vst v63  }
0x79: {  	_ = 	snop  }
0x7a: {  	[spmem:s3] =	stream.indirect.scatter.add.f32 [tilespmem:s1], [sflag:$0x3], $0x40, s9, s15, $0xb8;
	[tilespmem:$0x1ACE0] =	vst v63  }
0x7b: {  	s25 =	simm.s32 @p0 $0xC8;
	s23 =	simm.s32 @p0 $0x1A768;
	s19 =	simm.s32 @p0 $0x1AC18  }
0x7c: {  	[spmem:s4] =	stream.indirect.scatter.add.f32 @p0 [tilespmem:s19], [sflag:$0x3], $0x1, s23, s25, $0xb8;
	[tilespmem:$0x1ACE0] =	vst v63  }
0x7d: {  	s22 =	simm.s32 @p0 $0x1AA88;
	s19 =	simm.s32 @p0 $0x1A8F8  }
0x7e: {  	[tilespmem:s22], [sflag:$0x5] =	stream.indirect.gather @p0 [spmem:s6], $0x1, s19, s25, $0xb8;
	[tilespmem:$0x1ACE0] =	vst v63  }
0x7f: {  	s19 =	simm.s32 @p0 $0x5  }
0x80: {  	_ =	swait.ge @p0 [sflag:s19], $0xC8  }
0x81: {  	[sflag:s19] =	ssyncset.done @p0 $0x0  }
0x82: {  	p3 =	seq.s32 s26, $0x0;
	[sflag:s19] =	ssyncadd.s32 @p0 $0xFFFFFF38  }
0x83: {  	[spmem:s5] =	stream.indirect.scatter.add.f32 @p0 [tilespmem:s22], [sflag:$0x3], $0x1, s23, s25, $0xb8;
	[tilespmem:$0x1ACE0] =	vst v63  }
0x84: {  	s19 =	simm.s32 @!p0 $0xC8;
	s22 =	simm.s32 @!p0 $0x1A8F8;
	s23 =	simm.s32 @!p0 $0x1AC18  }
0x85: {  	[spmem:s4] =	stream.indirect.scatter.add.f32 @!p0 [tilespmem:s23], [sflag:$0x3], $0x1, s22, s19, $0xb8;
	[tilespmem:$0x1ACE0] =	vst v63  }
0x86: {  	s19 =	simm.s32 @!p3 $0x4  }
0x87: {  	_ =	swait.ge @!p3 [sflag:s19], $0x3200  }
0x88: {  	[sflag:s19] =	ssyncset.done @!p3 $0x0  }
0x89: {  	[sflag:s19] =	ssyncadd.s32 @!p3 $0xFFFFCE00  }
0x8a: {  	_ =	swait.ge @!p3 [sflag:s19], $0x3200  }
0x8b: {  	[sflag:s19] =	ssyncset.done @!p3 $0x0  }
0x8c: {  	[sflag:s19] =	ssyncadd.s32 @!p3 $0xFFFFCE00  }
0x8d: {  	p4 =	seq.s32 @!p3 s8, $0x0;
	_ =	swait.ge @!p3 [sflag:s19], $0xC8  }
0x8e: {  	p4 =	por p4, p3;
	[sflag:s19] =	ssyncset.done @!p3 $0x0  }
0x8f: {  	[sflag:s19] =	ssyncadd.s32 @!p3 $0xFFFFFF38;
	s19 =	simm.s32 @!p4 $0x4  }
0x90: {  	_ =	swait.ge @!p4 [sflag:s19], $0xC8  }
0x91: {  	[sflag:s19] =	ssyncset.done @!p4 $0x0  }
0x92: {  	s25 =	sadd.s32 s26, s20;
	[sflag:s19] =	ssyncadd.s32 @!p4 $0xFFFFFF38  }
0x93: {  	[tilespmem:s13], [sflag:$0x2] =	stream.strided.gather [hbm4b:s10+s30], $0x3200, s31, s30, $0x38;
	[tilespmem:$0x1ACE0] =	vst v63  }
0x94: {  	s22 =	sadd.s32 $0x19, s25  }
0x95: {  	[tilespmem:s17], [sflag:$0x2] =	stream.linear.gather [hbm4b:s22+s7], $0xC8, $0x38;
	[tilespmem:$0x1ACE0] =	vst v63  }
0x96: {  	s23 =	sadd.s32 $0x9C59, s25  }
0x97: {  	[tilespmem:s18], [sflag:$0x2] =	stream.linear.gather [hbm4b:s23+s7], $0xC8, $0x38;
	[tilespmem:$0x1ACE0] =	vst v63  }
0x98: {  	_ =	swait.ge [sflag:s14], $0x3200  }
0x99: {  	[sflag:s14] =	ssyncset.done $0x0  }
0x9a: {  	[sflag:s14] =	ssyncadd.s32 $0xFFFFCE00  }
0x9b: {  	_ =	swait.ge [sflag:s14], $0xC8  }
0x9c: {  	[sflag:s14] =	ssyncset.done $0x0  }
0x9d: {  	[sflag:s14] =	ssyncadd.s32 $0xFFFFFF38  }
0x9e: {  	_ =	swait.ge [sflag:s14], $0xC8  }
0x9f: {  	[sflag:s14] =	ssyncset.done $0x0  }
0xa0: {  	[sflag:s14] =	ssyncadd.s32 $0xFFFFFF38  }
0xa1: {  	[spmem:s2] =	stream.indirect.scatter.add.f32 [tilespmem:s13], [sflag:$0x4], $0x40, s17, s15, $0xb8;
	[tilespmem:$0x1ACE0] =	vst v63  }
0xa2: {  	_ = 	snop  }
0xa3: {  	[spmem:s3] =	stream.indirect.scatter.add.f32 [tilespmem:s13], [sflag:$0x4], $0x40, s18, s15, $0xb8;
	[tilespmem:$0x1ACE0] =	vst v63  }
0xa4: {  	s19 =	simm.s32 @p2 $0xC8;
	s22 =	simm.s32 @p2 $0x1A9C0;
	s23 =	simm.s32 @p2 $0x1AC18  }
0xa5: {  	[spmem:s4] =	stream.indirect.scatter.add.f32 @p2 [tilespmem:s23], [sflag:$0x4], $0x1, s22, s19, $0xb8;
	[tilespmem:$0x1ACE0] =	vst v63  }
0xa6: {  	s23 =	simm.s32 @p2 $0x1AB50  }
0xa7: {  	[tilespmem:s23], [sflag:$0x5] =	stream.indirect.gather @p2 [spmem:s6], $0x1, s22, s19, $0xb8;
	[tilespmem:$0x1ACE0] =	vst v63  }
0xa8: {  	s22 =	simm.s32 @p2 $0x5  }
0xa9: {  	_ =	swait.ge @p2 [sflag:s22], $0xC8  }
0xaa: {  	[sflag:s22] =	ssyncset.done @p2 $0x0  }
0xab: {  	[sflag:s22] =	ssyncadd.s32 @p2 $0xFFFFFF38;
	s22 =	simm.s32 @p2 $0x1A830  }
0xac: {  	[spmem:s5] =	stream.indirect.scatter.add.f32 @p2 [tilespmem:s23], [sflag:$0x4], $0x1, s22, s19, $0xb8;
	[tilespmem:$0x1ACE0] =	vst v63  }
0xad: {  	s19 =	simm.s32 @!p2 $0xC8;
	s22 =	simm.s32 @!p2 $0x1A830;
	s23 =	simm.s32 @!p2 $0x1AC18  }
0xae: {  	[spmem:s4] =	stream.indirect.scatter.add.f32 @!p2 [tilespmem:s23], [sflag:$0x4], $0x1, s22, s19, $0xb8;
	[tilespmem:$0x1ACE0] =	vst v63  }
0xaf: {  	_ =	swait.ge [sflag:s21], $0x3200  }
0xb0: {  	[sflag:s21] =	ssyncset.done $0x0  }
0xb1: {  	[sflag:s21] =	ssyncadd.s32 $0xFFFFCE00  }
0xb2: {  	_ =	swait.ge [sflag:s21], $0x3200  }
0xb3: {  	[sflag:s21] =	ssyncset.done $0x0  }
0xb4: {  	[sflag:s21] =	ssyncadd.s32 $0xFFFFCE00  }
0xb5: {  	p3 =	seq.s32 s26, $0x992;
	_ =	swait.ge [sflag:s21], $0xC8  }
.Ltmp2:
0xb6: {  	[sflag:s21] =	ssyncset.done $0x0;
	(pc) =	sbr.rel @p3 .LBB2_4-.Ltmp2, $4  }
0xb7: {  	s19 =	simm.s32 @!p2 $0x3;
	[sflag:s21] =	ssyncadd.s32 $0xFFFFFF38  }
0xb8: {  	_ =	swait.ge @!p2 [sflag:s19], $0xC8  }
0xb9: {  	[sflag:s19] =	ssyncset.done @!p2 $0x0  }
0xba: {  	[sflag:s19] =	ssyncadd.s32 @!p2 $0xFFFFFF38  }
0xbb: {  	s19 =	sshrl.u32 s11, $0x3  }
0xbc: {  	s19 =	sadd.s32 s0, s19  }
0xbd: {  	[tilespmem:s1], [sflag:$0x1] =	stream.strided.gather [hbm4b:s19+s30], $0x3200, s31, s30, $0x38;
	[tilespmem:$0x1ACE0] =	vst v63  }
.Ltmp3:
0xbe: {  	_ = 	snop;
	(pc) =	sbr.rel .LBB2_2-.Ltmp3, $4  }
0xbf: {  	s23 =	sadd.s32 $0x32, s25;
	s25 =	sadd.s32 $0x9C72, s25  }
0xc0: {  	[tilespmem:s29], [sflag:$0x1] =	stream.linear.gather [hbm4b:s23+s7], $0xC8, $0x38;
	[tilespmem:$0x1ACE0] =	vst v63  }
0xc1: {  	s26 =	sadd.s32 $0x32, s26;
	s11 =	sadd.s32 $0xC800, s11;
	s10 =	sadd.s32 $0x1900, s10  }
0xc2: {  	[tilespmem:s9], [sflag:$0x1] =	stream.linear.gather [hbm4b:s25+s7], $0xC8, $0x38;
	[tilespmem:$0x1ACE0] =	vst v63  }
.LBB2_5:
0xc3: {  	_ =	sfence.sel $0x180000  }
0xc4: {  	[bflag:$0x0] =	sbarrier.arrive $0xFFFF  }
0xc5: {  	_ =	strace $0x90000047  }
0xc6: {  	[bflag:$0x2] =	sbarrier.arrive $0xFFFF  }
0xc7: {  	s0 =	rddreg [dreg:$0x8]  }
0xc8: {  	s0 =	sadd.s32 @!p1 $0x100000, s0  }
0xc9: {  	[sflag:s0] =	ssyncadd.tile.s32 @!p1 $0x1;
	_ =	shalt  }
.Lfunc_end2:
_tile_overlayer_lowered:
.L_overlay_start_2:
0xca: {  	(tag) =	ssettag $0x2  }
0xcb: {  	s0 =	rddreg [dreg:$0x0];
	s2 =	stileid.u32  }
0xcc: {  	s1 =	rddreg [dreg:$0x1];
	p0 =	sne.s32 s2, $0x0  }
0xcd: {  	s3 =	rddreg [dreg:$0x2];
	[bflag:$0x3] =	sbarrier.arrive $0xFFFF;
	s2 =	simm.s32 @!p0 $0x1C06  }
0xce: {  	[timem:s3], [sflag:s2] =	dma.local @!p0 [hbm:s0], s1  }
0xcf: {  	s0 =	simm.s32 @!p0 $0x6  }
0xd0: {  	_ =	swait.ge @!p0 [sflag:s0], s1  }
0xd1: {  	s1 =	ssub.s32 @!p0 $0x0, s1;
	[sflag:s0] =	ssyncset.done @!p0 $0x0  }
0xd2: {  	[sflag:s0] =	ssyncadd.s32 @!p0 s1  }
0xd3: {  	[bflag:$0x3] =	sbarrier.arrive $0xFFFF  }
0xd4: {  	_ =	shalt  }

</sc_bundles>
